<compile_context>
chip_gen: v7x
topology: tpu7x:2x2x1
jax: 0.10.2.dev20260603
libtpu: 0.0.44.dev20260713+nightly
codegen_flags: <defaults>
</compile_context>

<pallas_src>
import jax
import jax.numpy as jnp
from jax import lax
from jax.experimental import pallas as pl
from jax.experimental.pallas import tpu as pltpu
from jax.experimental.pallas import tpu_sc as plsc

_VOCAB = 100
_HIDDEN = 128
_LANES = 128

_NC = 2
_NS = 16
_NW = _NC * _NS

_NB = 5
_IB = 80
_PF = 3


def _gather_body(idx_hbm, tbl_hbm, out_hbm, idxb, rows, tbl_sh,
                 isem, g0, g1, g2, g3, g4, o0, o1, o2, o3, o4):
    n_rows = idx_hbm.shape[0]
    per_w = n_rows // _NW
    n_blocks = per_w // _IB
    wid = lax.axis_index("s") * _NC + lax.axis_index("c")
    base = wid * per_w
    gsem = (g0, g1, g2, g3, g4)
    osem = (o0, o1, o2, o3, o4)

    @pl.when(lax.axis_index("s") == 0)
    def _():
        pltpu.sync_copy(tbl_hbm, tbl_sh)

    plsc.subcore_barrier()

    def blk_load_start(m):
        pltpu.async_copy(
            idx_hbm.at[pl.ds(base + m * _IB, _IB)], idxb.at[lax.rem(m, 2)], isem
        )

    def blk_load_wait(m):
        pltpu.make_async_copy(
            idx_hbm.at[pl.ds(base + m * _IB, _IB)], idxb.at[lax.rem(m, 2)], isem
        ).wait()

    def idx_ref(u):
        return idxb.at[lax.rem(u // _IB, 2), lax.rem(u, _IB)]

    def gather_start(u, b):
        pltpu.async_copy(tbl_sh.at[idx_ref(u)], rows.at[b], gsem[b])

    def gather_wait(u, b):
        pltpu.make_async_copy(tbl_sh.at[idx_ref(u)], rows.at[b], gsem[b]).wait()

    def out_start(u, b):
        pltpu.async_copy(rows.at[b], out_hbm.at[base + u], osem[b])

    def out_wait(u, b):
        pltpu.make_async_copy(rows.at[b], out_hbm.at[base + u], osem[b]).wait()

    blk_load_start(0)
    blk_load_wait(0)
    blk_load_start(1)
    for u in range(_PF):
        gather_start(u, u)

    def step(g, carry):
        for b in range(_NB):
            u = g * _NB + b
            gather_wait(u, b)
            out_start(u, b)

            @pl.when(u + _PF < per_w)
            def _():
                v = u + _PF
                bv = (b + _PF) % _NB

                @pl.when(u >= _NB - _PF)
                def _():
                    out_wait(v - _NB, bv)

                @pl.when(lax.rem(v, _IB) == 0)
                def _():
                    blk_load_wait(v // _IB)

                gather_start(v, bv)

            @pl.when((lax.rem(u, _IB) == _IB - 1) & (u < (n_blocks - 2) * _IB))
            def _():
                blk_load_start((u + 1) // _IB + 1)

        return carry

    lax.fori_loop(0, per_w // _NB, step, 0)

    for i in range(_NB):
        u = per_w - _NB + i
        out_wait(u, u % _NB)


@jax.jit
def _lookup(idx2d, table):
    n_rows = idx2d.shape[0]
    mesh = plsc.VectorSubcoreMesh(core_axis_name="c", subcore_axis_name="s")
    return pl.kernel(
        _gather_body,
        mesh=mesh,
        out_type=jax.ShapeDtypeStruct((n_rows, _LANES, _HIDDEN), jnp.float32),
        scratch_types=[
            pltpu.VMEM((2, _IB, _LANES), jnp.int32),
            pltpu.VMEM((_NB, _LANES, _HIDDEN), jnp.float32),
            pltpu.VMEM_SHARED((_VOCAB, _HIDDEN), jnp.float32),
        ] + [pltpu.SemaphoreType.DMA] * 11,
    )(idx2d, table)


def kernel(indices, word_embeddings):
    b, t = indices.shape
    flat = b * t
    idx2d = indices.reshape(flat // _LANES, _LANES).astype(jnp.int32)
    out = _lookup(idx2d, word_embeddings)
    return out.reshape(b, t, _HIDDEN)

# --- scband reference (transcript-rebuilt; emitter-appended) ---
"""Pipeline reference for scband-mini-embeddings-79594333930012 (READ-ONLY COPY).

The authoritative reference and input builder live on the scoring server;
editing this copy changes nothing except your own understanding.
"""

import jax, jax.numpy as jnp
import numpy as np

VOCAB = 100
HIDDEN = 128
BATCH = 16384
HIST = 200


def setup_inputs(seed: int = 0) -> dict:
    key = jax.random.key(seed)
    k_idx, k_tbl = jax.random.split(key)
    indices = jax.random.randint(k_idx, (BATCH, HIST), 0, VOCAB, dtype=jnp.int64 if jax.config.jax_enable_x64 else jnp.int32)
    word_embeddings = jax.random.normal(k_tbl, (VOCAB, HIDDEN), dtype=jnp.float32)
    return {"indices": indices, "word_embeddings": word_embeddings}


def reference(indices, word_embeddings):
    # Faithful translation of nn.Embedding lookup: out[b, t, :] = table[indices[b, t], :]
    return jnp.take(word_embeddings, indices, axis=0)

if __name__ == "__main__":
    import jax
    _d = setup_inputs()
    print(jax.jit(kernel)(*tuple(_d.values())))

</pallas_src>

<mosaic_0001>
#map = affine_map<(d0, d1) -> (0, 0)>
#map1 = affine_map<(d0, d1) -> (0, 0, 0)>
module attributes {stable_mosaic.version = 14 : i64} {
  func.func @_gather_body(%arg0: i32, %arg1: i32, %arg2: memref<25600x128xi32, #tpu.memory_space<hbm>>, %arg3: memref<100x128xf32, #tpu.memory_space<hbm>>, %arg4: memref<25600x128x128xf32, #tpu.memory_space<hbm>>, %arg5: memref<2x80x128xi32, #tpu.memory_space<vmem>>, %arg6: memref<5x128x128xf32, #tpu.memory_space<vmem>>, %arg7: memref<100x128xf32, #tpu.memory_space<vmem_shared>>, %arg8: memref<!tpu.dma_semaphore, #tpu.memory_space<semaphore_mem>>, %arg9: memref<!tpu.dma_semaphore, #tpu.memory_space<semaphore_mem>>, %arg10: memref<!tpu.dma_semaphore, #tpu.memory_space<semaphore_mem>>, %arg11: memref<!tpu.dma_semaphore, #tpu.memory_space<semaphore_mem>>, %arg12: memref<!tpu.dma_semaphore, #tpu.memory_space<semaphore_mem>>, %arg13: memref<!tpu.dma_semaphore, #tpu.memory_space<semaphore_mem>>, %arg14: memref<!tpu.dma_semaphore, #tpu.memory_space<semaphore_mem>>, %arg15: memref<!tpu.dma_semaphore, #tpu.memory_space<semaphore_mem>>, %arg16: memref<!tpu.dma_semaphore, #tpu.memory_space<semaphore_mem>>, %arg17: memref<!tpu.dma_semaphore, #tpu.memory_space<semaphore_mem>>, %arg18: memref<!tpu.dma_semaphore, #tpu.memory_space<semaphore_mem>>) attributes {dimension_semantics = [#tpu.dimension_semantics<core_parallel>, #tpu.dimension_semantics<subcore_parallel>], iteration_bounds = array<i64: 2, 16>, scalar_prefetch = 0 : i64, scratch_operands = 14 : i64, tpu.core_type = #tpu.core_type<sc_vector_subcore>, window_params = [{transform_indices = #map}, {transform_indices = #map}, {transform_indices = #map1}]} {
    %mul3A = arith.constant 2 : i32
    %mul3A_0 = arith.muli %arg1, %mul3A : i32
    %add3A = arith.addi %mul3A_0, %arg0 : i32
    %mul3A_1 = arith.constant 800 : i32
    %mul3A_2 = arith.muli %add3A, %mul3A_1 : i32
    %eq3A = arith.constant 0 : i32
    %eq3A_3 = arith.cmpi eq, %arg1, %eq3A : i32
    %convert_element_type3A = arith.extui %eq3A_3 : i1 to i32
    %cond3A = arith.constant 0 : i32
    %cond3A_4 = arith.cmpi ne, %convert_element_type3A, %cond3A : i32
    scf.if %cond3A_4 {
      "tpu.region"() ({
        %run_scoped3A = tpu.sem_alloc : memref<!tpu.dma_semaphore, #tpu.memory_space<semaphore_mem>>
        tpu.enqueue_dma source(%arg3 : memref<100x128xf32, #tpu.memory_space<hbm>>) target(%arg7 : memref<100x128xf32, #tpu.memory_space<vmem_shared>>) target_semaphore(%run_scoped3A : memref<!tpu.dma_semaphore, #tpu.memory_space<semaphore_mem>>)
        tpu.wait_dma2 semaphore(%run_scoped3A : memref<!tpu.dma_semaphore, #tpu.memory_space<semaphore_mem>>) src(%arg3 : memref<100x128xf32, #tpu.memory_space<hbm>>) dst(%arg7 : memref<100x128xf32, #tpu.memory_space<vmem_shared>>)
        tpu.yield
      }) : () -> ()
    } else {
    }
    %barrier3A = arith.constant 0 : index
    tpu.barrier barrier_id(%barrier3A)
    %add3A_5 = arith.constant 0 : i32
    %add3A_6 = arith.addi %mul3A_2, %add3A_5 : i32
    %rem3A = arith.constant 0 : i32
    %rem3A_7 = arith.constant 2 : i32
    %rem3A_8 = arith.remsi %rem3A, %rem3A_7 : i32
    %dma_start3A = arith.constant 0 : i32
    %dma_start3A_9 = arith.constant 0 : i32
    %dma_start3A_10 = tpu.memref_slice %arg5[%rem3A_8, %dma_start3A, %dma_start3A_9] : memref<2x80x128xi32, #tpu.memory_space<vmem>> -> memref<1x80x128xi32, #tpu.memory_space<vmem>>
    %dma_start3A_11 = tpu.memref_squeeze %dma_start3A_10 : memref<1x80x128xi32, #tpu.memory_space<vmem>> -> memref<80x128xi32, #tpu.memory_space<vmem>>
    %dma_start3A_12 = arith.constant 0 : i32
    %dma_start3A_13 = tpu.memref_slice %arg2[%add3A_6, %dma_start3A_12] : memref<25600x128xi32, #tpu.memory_space<hbm>> -> memref<80x128xi32, #tpu.memory_space<hbm>>
    %dma_start3A_14 = arith.constant 0 : i32
    %dma_start3A_15 = arith.constant 0 : i32
    %dma_start3A_16 = tpu.memref_slice %arg5[%rem3A_8, %dma_start3A_14, %dma_start3A_15] : memref<2x80x128xi32, #tpu.memory_space<vmem>> -> memref<1x80x128xi32, #tpu.memory_space<vmem>>
    %dma_start3A_17 = tpu.memref_squeeze %dma_start3A_16 : memref<1x80x128xi32, #tpu.memory_space<vmem>> -> memref<80x128xi32, #tpu.memory_space<vmem>>
    %dma_start3A_18 = arith.constant 0 : i32
    %dma_start3A_19 = tpu.memref_slice %arg2[%add3A_6, %dma_start3A_18] : memref<25600x128xi32, #tpu.memory_space<hbm>> -> memref<80x128xi32, #tpu.memory_space<hbm>>
    tpu.enqueue_dma source(%dma_start3A_19 : memref<80x128xi32, #tpu.memory_space<hbm>>) target(%dma_start3A_17 : memref<80x128xi32, #tpu.memory_space<vmem>>) target_semaphore(%arg8 : memref<!tpu.dma_semaphore, #tpu.memory_space<semaphore_mem>>)
    %add3A_20 = arith.constant 0 : i32
    %add3A_21 = arith.addi %mul3A_2, %add3A_20 : i32
    %rem3A_22 = arith.constant 0 : i32
    %rem3A_23 = arith.constant 2 : i32
    %rem3A_24 = arith.remsi %rem3A_22, %rem3A_23 : i32
    %dma_wait3A = arith.constant 0 : i32
    %dma_wait3A_25 = arith.constant 0 : i32
    %dma_wait3A_26 = tpu.memref_slice %arg5[%rem3A_24, %dma_wait3A, %dma_wait3A_25] : memref<2x80x128xi32, #tpu.memory_space<vmem>> -> memref<1x80x128xi32, #tpu.memory_space<vmem>>
    %dma_wait3A_27 = tpu.memref_squeeze %dma_wait3A_26 : memref<1x80x128xi32, #tpu.memory_space<vmem>> -> memref<80x128xi32, #tpu.memory_space<vmem>>
    %dma_wait3A_28 = arith.constant 0 : i32
    %dma_wait3A_29 = tpu.memref_slice %arg2[%add3A_21, %dma_wait3A_28] : memref<25600x128xi32, #tpu.memory_space<hbm>> -> memref<80x128xi32, #tpu.memory_space<hbm>>
    %dma_wait3A_30 = arith.constant 0 : i32
    %dma_wait3A_31 = arith.constant 0 : i32
    %dma_wait3A_32 = tpu.memref_slice %arg5[%rem3A_24, %dma_wait3A_30, %dma_wait3A_31] : memref<2x80x128xi32, #tpu.memory_space<vmem>> -> memref<1x80x128xi32, #tpu.memory_space<vmem>>
    %dma_wait3A_33 = tpu.memref_squeeze %dma_wait3A_32 : memref<1x80x128xi32, #tpu.memory_space<vmem>> -> memref<80x128xi32, #tpu.memory_space<vmem>>
    %dma_wait3A_34 = arith.constant 0 : i32
    %dma_wait3A_35 = tpu.memref_slice %arg2[%add3A_21, %dma_wait3A_34] : memref<25600x128xi32, #tpu.memory_space<hbm>> -> memref<80x128xi32, #tpu.memory_space<hbm>>
    tpu.wait_dma2 semaphore(%arg8 : memref<!tpu.dma_semaphore, #tpu.memory_space<semaphore_mem>>) src(%dma_wait3A_35 : memref<80x128xi32, #tpu.memory_space<hbm>>) dst(%dma_wait3A_33 : memref<80x128xi32, #tpu.memory_space<vmem>>)
    %add3A_36 = arith.constant 80 : i32
    %add3A_37 = arith.addi %mul3A_2, %add3A_36 : i32
    %rem3A_38 = arith.constant 1 : i32
    %rem3A_39 = arith.constant 2 : i32
    %rem3A_40 = arith.remsi %rem3A_38, %rem3A_39 : i32
    %dma_start3A_41 = arith.constant 0 : i32
    %dma_start3A_42 = arith.constant 0 : i32
    %dma_start3A_43 = tpu.memref_slice %arg5[%rem3A_40, %dma_start3A_41, %dma_start3A_42] : memref<2x80x128xi32, #tpu.memory_space<vmem>> -> memref<1x80x128xi32, #tpu.memory_space<vmem>>
    %dma_start3A_44 = tpu.memref_squeeze %dma_start3A_43 : memref<1x80x128xi32, #tpu.memory_space<vmem>> -> memref<80x128xi32, #tpu.memory_space<vmem>>
    %dma_start3A_45 = arith.constant 0 : i32
    %dma_start3A_46 = tpu.memref_slice %arg2[%add3A_37, %dma_start3A_45] : memref<25600x128xi32, #tpu.memory_space<hbm>> -> memref<80x128xi32, #tpu.memory_space<hbm>>
    %dma_start3A_47 = arith.constant 0 : i32
    %dma_start3A_48 = arith.constant 0 : i32
    %dma_start3A_49 = tpu.memref_slice %arg5[%rem3A_40, %dma_start3A_47, %dma_start3A_48] : memref<2x80x128xi32, #tpu.memory_space<vmem>> -> memref<1x80x128xi32, #tpu.memory_space<vmem>>
    %dma_start3A_50 = tpu.memref_squeeze %dma_start3A_49 : memref<1x80x128xi32, #tpu.memory_space<vmem>> -> memref<80x128xi32, #tpu.memory_space<vmem>>
    %dma_start3A_51 = arith.constant 0 : i32
    %dma_start3A_52 = tpu.memref_slice %arg2[%add3A_37, %dma_start3A_51] : memref<25600x128xi32, #tpu.memory_space<hbm>> -> memref<80x128xi32, #tpu.memory_space<hbm>>
    tpu.enqueue_dma source(%dma_start3A_52 : memref<80x128xi32, #tpu.memory_space<hbm>>) target(%dma_start3A_50 : memref<80x128xi32, #tpu.memory_space<vmem>>) target_semaphore(%arg8 : memref<!tpu.dma_semaphore, #tpu.memory_space<semaphore_mem>>)
    %rem3A_53 = arith.constant 0 : i32
    %rem3A_54 = arith.constant 2 : i32
    %rem3A_55 = arith.remsi %rem3A_53, %rem3A_54 : i32
    %rem3A_56 = arith.constant 0 : i32
    %rem3A_57 = arith.constant 80 : i32
    %rem3A_58 = arith.remsi %rem3A_56, %rem3A_57 : i32
    %dma_start3A_59 = arith.constant 0 : i32
    %dma_start3A_60 = arith.constant 0 : i32
    %dma_start3A_61 = arith.constant 0 : i32
    %dma_start3A_62 = tpu.memref_slice %arg6[%dma_start3A_59, %dma_start3A_60, %dma_start3A_61] : memref<5x128x128xf32, #tpu.memory_space<vmem>> -> memref<1x128x128xf32, #tpu.memory_space<vmem>>
    %dma_start3A_63 = tpu.memref_squeeze %dma_start3A_62 : memref<1x128x128xf32, #tpu.memory_space<vmem>> -> memref<128x128xf32, #tpu.memory_space<vmem>>
    %dma_start3A_64 = arith.constant 0 : i32
    %dma_start3A_65 = tpu.memref_slice %arg5[%rem3A_55, %rem3A_58, %dma_start3A_64] : memref<2x80x128xi32, #tpu.memory_space<vmem>> -> memref<1x1x128xi32, #tpu.memory_space<vmem>>
    %dma_start3A_66 = tpu.memref_squeeze %dma_start3A_65 : memref<1x1x128xi32, #tpu.memory_space<vmem>> -> memref<128xi32, #tpu.memory_space<vmem>>
    %dma_start3A_67 = arith.constant 0 : i32
    %dma_start3A_68 = arith.constant 0 : i32
    %dma_start3A_69 = tpu.memref_slice %arg7[%dma_start3A_67, %dma_start3A_68] : memref<100x128xf32, #tpu.memory_space<vmem_shared>> -> memref<100x128xf32, #tpu.memory_space<vmem_shared>>
    tpu.enqueue_indirect_dma source(%dma_start3A_69 : memref<100x128xf32, #tpu.memory_space<vmem_shared>>) target(%dma_start3A_63 : memref<128x128xf32, #tpu.memory_space<vmem>>) offsets(%dma_start3A_66 : memref<128xi32, #tpu.memory_space<vmem>>) semaphore(%arg9 : memref<!tpu.dma_semaphore, #tpu.memory_space<semaphore_mem>>)
    %rem3A_70 = arith.constant 0 : i32
    %rem3A_71 = arith.constant 2 : i32
    %rem3A_72 = arith.remsi %rem3A_70, %rem3A_71 : i32
    %rem3A_73 = arith.constant 1 : i32
    %rem3A_74 = arith.constant 80 : i32
    %rem3A_75 = arith.remsi %rem3A_73, %rem3A_74 : i32
    %dma_start3A_76 = arith.constant 1 : i32
    %dma_start3A_77 = arith.constant 0 : i32
    %dma_start3A_78 = arith.constant 0 : i32
    %dma_start3A_79 = tpu.memref_slice %arg6[%dma_start3A_76, %dma_start3A_77, %dma_start3A_78] : memref<5x128x128xf32, #tpu.memory_space<vmem>> -> memref<1x128x128xf32, #tpu.memory_space<vmem>>
    %dma_start3A_80 = tpu.memref_squeeze %dma_start3A_79 : memref<1x128x128xf32, #tpu.memory_space<vmem>> -> memref<128x128xf32, #tpu.memory_space<vmem>>
    %dma_start3A_81 = arith.constant 0 : i32
    %dma_start3A_82 = tpu.memref_slice %arg5[%rem3A_72, %rem3A_75, %dma_start3A_81] : memref<2x80x128xi32, #tpu.memory_space<vmem>> -> memref<1x1x128xi32, #tpu.memory_space<vmem>>
    %dma_start3A_83 = tpu.memref_squeeze %dma_start3A_82 : memref<1x1x128xi32, #tpu.memory_space<vmem>> -> memref<128xi32, #tpu.memory_space<vmem>>
    %dma_start3A_84 = arith.constant 0 : i32
    %dma_start3A_85 = arith.constant 0 : i32
    %dma_start3A_86 = tpu.memref_slice %arg7[%dma_start3A_84, %dma_start3A_85] : memref<100x128xf32, #tpu.memory_space<vmem_shared>> -> memref<100x128xf32, #tpu.memory_space<vmem_shared>>
    tpu.enqueue_indirect_dma source(%dma_start3A_86 : memref<100x128xf32, #tpu.memory_space<vmem_shared>>) target(%dma_start3A_80 : memref<128x128xf32, #tpu.memory_space<vmem>>) offsets(%dma_start3A_83 : memref<128xi32, #tpu.memory_space<vmem>>) semaphore(%arg10 : memref<!tpu.dma_semaphore, #tpu.memory_space<semaphore_mem>>)
    %rem3A_87 = arith.constant 0 : i32
    %rem3A_88 = arith.constant 2 : i32
    %rem3A_89 = arith.remsi %rem3A_87, %rem3A_88 : i32
    %rem3A_90 = arith.constant 2 : i32
    %rem3A_91 = arith.constant 80 : i32
    %rem3A_92 = arith.remsi %rem3A_90, %rem3A_91 : i32
    %dma_start3A_93 = arith.constant 2 : i32
    %dma_start3A_94 = arith.constant 0 : i32
    %dma_start3A_95 = arith.constant 0 : i32
    %dma_start3A_96 = tpu.memref_slice %arg6[%dma_start3A_93, %dma_start3A_94, %dma_start3A_95] : memref<5x128x128xf32, #tpu.memory_space<vmem>> -> memref<1x128x128xf32, #tpu.memory_space<vmem>>
    %dma_start3A_97 = tpu.memref_squeeze %dma_start3A_96 : memref<1x128x128xf32, #tpu.memory_space<vmem>> -> memref<128x128xf32, #tpu.memory_space<vmem>>
    %dma_start3A_98 = arith.constant 0 : i32
    %dma_start3A_99 = tpu.memref_slice %arg5[%rem3A_89, %rem3A_92, %dma_start3A_98] : memref<2x80x128xi32, #tpu.memory_space<vmem>> -> memref<1x1x128xi32, #tpu.memory_space<vmem>>
    %dma_start3A_100 = tpu.memref_squeeze %dma_start3A_99 : memref<1x1x128xi32, #tpu.memory_space<vmem>> -> memref<128xi32, #tpu.memory_space<vmem>>
    %dma_start3A_101 = arith.constant 0 : i32
    %dma_start3A_102 = arith.constant 0 : i32
    %dma_start3A_103 = tpu.memref_slice %arg7[%dma_start3A_101, %dma_start3A_102] : memref<100x128xf32, #tpu.memory_space<vmem_shared>> -> memref<100x128xf32, #tpu.memory_space<vmem_shared>>
    tpu.enqueue_indirect_dma source(%dma_start3A_103 : memref<100x128xf32, #tpu.memory_space<vmem_shared>>) target(%dma_start3A_97 : memref<128x128xf32, #tpu.memory_space<vmem>>) offsets(%dma_start3A_100 : memref<128xi32, #tpu.memory_space<vmem>>) semaphore(%arg11 : memref<!tpu.dma_semaphore, #tpu.memory_space<semaphore_mem>>)
    %scan3A = arith.constant 0 : i32
    %scan3A_104 = arith.constant 0 : i32
    %scan3A_105 = arith.constant 160 : i32
    %scan3A_106 = arith.addi %scan3A_104, %scan3A_105 : i32
    %scan3A_107 = arith.constant 1 : i32
    scf.for %scan3A_204 = %scan3A_104 to %scan3A_106 step %scan3A_107  : i32 {
      %mul3A_205 = arith.constant 5 : i32
      %mul3A_206 = arith.muli %scan3A_204, %mul3A_205 : i32
      %add3A_207 = arith.constant 0 : i32
      %add3A_208 = arith.addi %mul3A_206, %add3A_207 : i32
      %jit3A = arith.constant 80 : i32
      %div3A = arith.divsi %add3A_208, %jit3A : i32
      %sign3A = arith.constant 0 : i32
      %sign3A_209 = arith.cmpi sgt, %add3A_208, %sign3A : i32
      %sign3A_210 = arith.extui %sign3A_209 : i1 to i32
      %sign3A_211 = arith.constant 0 : i32
      %sign3A_212 = arith.cmpi slt, %add3A_208, %sign3A_211 : i32
      %sign3A_213 = arith.extui %sign3A_212 : i1 to i32
      %sign3A_214 = arith.subi %sign3A_210, %sign3A_213 : i32
      %sign3A_215 = arith.constant 0 : i32
      %sign3A_216 = arith.cmpi sgt, %jit3A, %sign3A_215 : i32
      %sign3A_217 = arith.extui %sign3A_216 : i1 to i32
      %sign3A_218 = arith.constant 0 : i32
      %sign3A_219 = arith.cmpi slt, %jit3A, %sign3A_218 : i32
      %sign3A_220 = arith.extui %sign3A_219 : i1 to i32
      %sign3A_221 = arith.subi %sign3A_217, %sign3A_220 : i32
      %ne3A = arith.cmpi ne, %sign3A_214, %sign3A_221 : i32
      %rem3A_222 = arith.remsi %add3A_208, %jit3A : i32
      %ne3A_223 = arith.constant 0 : i32
      %ne3A_224 = arith.cmpi ne, %rem3A_222, %ne3A_223 : i32
      %and3A = arith.andi %ne3A, %ne3A_224 : i1
      %sub3A = arith.constant 1 : i32
      %sub3A_225 = arith.subi %div3A, %sub3A : i32
      %select_n3A = arith.select %and3A, %sub3A_225, %div3A : i32
      %rem3A_226 = arith.constant 2 : i32
      %rem3A_227 = arith.remsi %select_n3A, %rem3A_226 : i32
      %rem3A_228 = arith.constant 80 : i32
      %rem3A_229 = arith.remsi %add3A_208, %rem3A_228 : i32
      %dma_wait3A_230 = arith.constant 0 : i32
      %dma_wait3A_231 = arith.constant 0 : i32
      %dma_wait3A_232 = arith.constant 0 : i32
      %dma_wait3A_233 = tpu.memref_slice %arg6[%dma_wait3A_230, %dma_wait3A_231, %dma_wait3A_232] : memref<5x128x128xf32, #tpu.memory_space<vmem>> -> memref<1x128x128xf32, #tpu.memory_space<vmem>>
      %dma_wait3A_234 = tpu.memref_squeeze %dma_wait3A_233 : memref<1x128x128xf32, #tpu.memory_space<vmem>> -> memref<128x128xf32, #tpu.memory_space<vmem>>
      %dma_wait3A_235 = arith.constant 0 : i32
      %dma_wait3A_236 = tpu.memref_slice %arg5[%rem3A_227, %rem3A_229, %dma_wait3A_235] : memref<2x80x128xi32, #tpu.memory_space<vmem>> -> memref<1x1x128xi32, #tpu.memory_space<vmem>>
      %dma_wait3A_237 = tpu.memref_squeeze %dma_wait3A_236 : memref<1x1x128xi32, #tpu.memory_space<vmem>> -> memref<128xi32, #tpu.memory_space<vmem>>
      %dma_wait3A_238 = arith.constant 0 : i32
      %dma_wait3A_239 = arith.constant 0 : i32
      %dma_wait3A_240 = tpu.memref_slice %arg7[%dma_wait3A_238, %dma_wait3A_239] : memref<100x128xf32, #tpu.memory_space<vmem_shared>> -> memref<100x128xf32, #tpu.memory_space<vmem_shared>>
      tpu.wait_indirect_dma semaphore(%arg9 : memref<!tpu.dma_semaphore, #tpu.memory_space<semaphore_mem>>) src(%dma_wait3A_240 : memref<100x128xf32, #tpu.memory_space<vmem_shared>>) dst(%dma_wait3A_234 : memref<128x128xf32, #tpu.memory_space<vmem>>)
      %add3A_241 = arith.addi %mul3A_2, %add3A_208 : i32
      %dma_start3A_242 = arith.constant 0 : i32
      %dma_start3A_243 = arith.constant 0 : i32
      %dma_start3A_244 = arith.constant 0 : i32
      %dma_start3A_245 = tpu.memref_slice %arg6[%dma_start3A_242, %dma_start3A_243, %dma_start3A_244] : memref<5x128x128xf32, #tpu.memory_space<vmem>> -> memref<1x128x128xf32, #tpu.memory_space<vmem>>
      %dma_start3A_246 = tpu.memref_squeeze %dma_start3A_245 : memref<1x128x128xf32, #tpu.memory_space<vmem>> -> memref<128x128xf32, #tpu.memory_space<vmem>>
      %dma_start3A_247 = arith.constant 0 : i32
      %dma_start3A_248 = arith.constant 0 : i32
      %dma_start3A_249 = tpu.memref_slice %arg4[%add3A_241, %dma_start3A_247, %dma_start3A_248] : memref<25600x128x128xf32, #tpu.memory_space<hbm>> -> memref<1x128x128xf32, #tpu.memory_space<hbm>>
      %dma_start3A_250 = tpu.memref_squeeze %dma_start3A_249 : memref<1x128x128xf32, #tpu.memory_space<hbm>> -> memref<128x128xf32, #tpu.memory_space<hbm>>
      %dma_start3A_251 = arith.constant 0 : i32
      %dma_start3A_252 = arith.constant 0 : i32
      %dma_start3A_253 = tpu.memref_slice %arg4[%add3A_241, %dma_start3A_251, %dma_start3A_252] : memref<25600x128x128xf32, #tpu.memory_space<hbm>> -> memref<1x128x128xf32, #tpu.memory_space<hbm>>
      %dma_start3A_254 = tpu.memref_squeeze %dma_start3A_253 : memref<1x128x128xf32, #tpu.memory_space<hbm>> -> memref<128x128xf32, #tpu.memory_space<hbm>>
      %dma_start3A_255 = arith.constant 0 : i32
      %dma_start3A_256 = arith.constant 0 : i32
      %dma_start3A_257 = tpu.memref_slice %arg6[%dma_start3A_242, %dma_start3A_255, %dma_start3A_256] : memref<5x128x128xf32, #tpu.memory_space<vmem>> -> memref<1x128x128xf32, #tpu.memory_space<vmem>>
      %dma_start3A_258 = tpu.memref_squeeze %dma_start3A_257 : memref<1x128x128xf32, #tpu.memory_space<vmem>> -> memref<128x128xf32, #tpu.memory_space<vmem>>
      tpu.enqueue_dma source(%dma_start3A_258 : memref<128x128xf32, #tpu.memory_space<vmem>>) target(%dma_start3A_254 : memref<128x128xf32, #tpu.memory_space<hbm>>) target_semaphore(%arg14 : memref<!tpu.dma_semaphore, #tpu.memory_space<semaphore_mem>>)
      %add3A_259 = arith.constant 3 : i32
      %add3A_260 = arith.addi %add3A_208, %add3A_259 : i32
      %lt3A = arith.constant 800 : i32
      %lt3A_261 = arith.cmpi slt, %add3A_260, %lt3A : i32
      %convert_element_type3A_262 = arith.extui %lt3A_261 : i1 to i32
      %cond3A_263 = arith.constant 0 : i32
      %cond3A_264 = arith.cmpi ne, %convert_element_type3A_262, %cond3A_263 : i32
      scf.if %cond3A_264 {
        %add3A_587 = arith.constant 3 : i32
        %add3A_588 = arith.addi %add3A_208, %add3A_587 : i32
        %ge3A = arith.constant 2 : i32
        %ge3A_589 = arith.cmpi sge, %add3A_208, %ge3A : i32
        %convert_element_type3A_590 = arith.extui %ge3A_589 : i1 to i32
        %cond3A_591 = arith.constant 0 : i32
        %cond3A_592 = arith.cmpi ne, %convert_element_type3A_590, %cond3A_591 : i32
        scf.if %cond3A_592 {
          %sub3A_639 = arith.constant 5 : i32
          %sub3A_640 = arith.subi %add3A_588, %sub3A_639 : i32
          %add3A_641 = arith.addi %mul3A_2, %sub3A_640 : i32
          %dma_wait3A_642 = arith.constant 3 : i32
          %dma_wait3A_643 = arith.constant 0 : i32
          %dma_wait3A_644 = arith.constant 0 : i32
          %dma_wait3A_645 = tpu.memref_slice %arg6[%dma_wait3A_642, %dma_wait3A_643, %dma_wait3A_644] : memref<5x128x128xf32, #tpu.memory_space<vmem>> -> memref<1x128x128xf32, #tpu.memory_space<vmem>>
          %dma_wait3A_646 = tpu.memref_squeeze %dma_wait3A_645 : memref<1x128x128xf32, #tpu.memory_space<vmem>> -> memref<128x128xf32, #tpu.memory_space<vmem>>
          %dma_wait3A_647 = arith.constant 0 : i32
          %dma_wait3A_648 = arith.constant 0 : i32
          %dma_wait3A_649 = tpu.memref_slice %arg4[%add3A_641, %dma_wait3A_647, %dma_wait3A_648] : memref<25600x128x128xf32, #tpu.memory_space<hbm>> -> memref<1x128x128xf32, #tpu.memory_space<hbm>>
          %dma_wait3A_650 = tpu.memref_squeeze %dma_wait3A_649 : memref<1x128x128xf32, #tpu.memory_space<hbm>> -> memref<128x128xf32, #tpu.memory_space<hbm>>
          %dma_wait3A_651 = arith.constant 0 : i32
          %dma_wait3A_652 = arith.constant 0 : i32
          %dma_wait3A_653 = tpu.memref_slice %arg4[%add3A_641, %dma_wait3A_651, %dma_wait3A_652] : memref<25600x128x128xf32, #tpu.memory_space<hbm>> -> memref<1x128x128xf32, #tpu.memory_space<hbm>>
          %dma_wait3A_654 = tpu.memref_squeeze %dma_wait3A_653 : memref<1x128x128xf32, #tpu.memory_space<hbm>> -> memref<128x128xf32, #tpu.memory_space<hbm>>
          %dma_wait3A_655 = arith.constant 0 : i32
          %dma_wait3A_656 = arith.constant 0 : i32
          %dma_wait3A_657 = tpu.memref_slice %arg6[%dma_wait3A_642, %dma_wait3A_655, %dma_wait3A_656] : memref<5x128x128xf32, #tpu.memory_space<vmem>> -> memref<1x128x128xf32, #tpu.memory_space<vmem>>
          %dma_wait3A_658 = tpu.memref_squeeze %dma_wait3A_657 : memref<1x128x128xf32, #tpu.memory_space<vmem>> -> memref<128x128xf32, #tpu.memory_space<vmem>>
          tpu.wait_dma2 semaphore(%arg17 : memref<!tpu.dma_semaphore, #tpu.memory_space<semaphore_mem>>) src(%dma_wait3A_658 : memref<128x128xf32, #tpu.memory_space<vmem>>) dst(%dma_wait3A_654 : memref<128x128xf32, #tpu.memory_space<hbm>>)
        } else {
        }
        %rem3A_593 = arith.constant 80 : i32
        %rem3A_594 = arith.remsi %add3A_588, %rem3A_593 : i32
        %eq3A_595 = arith.constant 0 : i32
        %eq3A_596 = arith.cmpi eq, %rem3A_594, %eq3A_595 : i32
        %convert_element_type3A_597 = arith.extui %eq3A_596 : i1 to i32
        %cond3A_598 = arith.constant 0 : i32
        %cond3A_599 = arith.cmpi ne, %convert_element_type3A_597, %cond3A_598 : i32
        scf.if %cond3A_599 {
          %jit3A_639 = arith.constant 80 : i32
          %div3A_640 = arith.divsi %add3A_588, %jit3A_639 : i32
          %sign3A_641 = arith.constant 0 : i32
          %sign3A_642 = arith.cmpi sgt, %add3A_588, %sign3A_641 : i32
          %sign3A_643 = arith.extui %sign3A_642 : i1 to i32
          %sign3A_644 = arith.constant 0 : i32
          %sign3A_645 = arith.cmpi slt, %add3A_588, %sign3A_644 : i32
          %sign3A_646 = arith.extui %sign3A_645 : i1 to i32
          %sign3A_647 = arith.subi %sign3A_643, %sign3A_646 : i32
          %sign3A_648 = arith.constant 0 : i32
          %sign3A_649 = arith.cmpi sgt, %jit3A_639, %sign3A_648 : i32
          %sign3A_650 = arith.extui %sign3A_649 : i1 to i32
          %sign3A_651 = arith.constant 0 : i32
          %sign3A_652 = arith.cmpi slt, %jit3A_639, %sign3A_651 : i32
          %sign3A_653 = arith.extui %sign3A_652 : i1 to i32
          %sign3A_654 = arith.subi %sign3A_650, %sign3A_653 : i32
          %ne3A_655 = arith.cmpi ne, %sign3A_647, %sign3A_654 : i32
          %rem3A_656 = arith.remsi %add3A_588, %jit3A_639 : i32
          %ne3A_657 = arith.constant 0 : i32
          %ne3A_658 = arith.cmpi ne, %rem3A_656, %ne3A_657 : i32
          %and3A_659 = arith.andi %ne3A_655, %ne3A_658 : i1
          %sub3A_660 = arith.constant 1 : i32
          %sub3A_661 = arith.subi %div3A_640, %sub3A_660 : i32
          %select_n3A_662 = arith.select %and3A_659, %sub3A_661, %div3A_640 : i32
          %mul3A_663 = arith.constant 80 : i32
          %mul3A_664 = arith.muli %select_n3A_662, %mul3A_663 : i32
          %add3A_665 = arith.addi %mul3A_2, %mul3A_664 : i32
          %rem3A_666 = arith.constant 2 : i32
          %rem3A_667 = arith.remsi %select_n3A_662, %rem3A_666 : i32
          %dma_wait3A_668 = arith.constant 0 : i32
          %dma_wait3A_669 = arith.constant 0 : i32
          %dma_wait3A_670 = tpu.memref_slice %arg5[%rem3A_667, %dma_wait3A_668, %dma_wait3A_669] : memref<2x80x128xi32, #tpu.memory_space<vmem>> -> memref<1x80x128xi32, #tpu.memory_space<vmem>>
          %dma_wait3A_671 = tpu.memref_squeeze %dma_wait3A_670 : memref<1x80x128xi32, #tpu.memory_space<vmem>> -> memref<80x128xi32, #tpu.memory_space<vmem>>
          %dma_wait3A_672 = arith.constant 0 : i32
          %dma_wait3A_673 = tpu.memref_slice %arg2[%add3A_665, %dma_wait3A_672] : memref<25600x128xi32, #tpu.memory_space<hbm>> -> memref<80x128xi32, #tpu.memory_space<hbm>>
          %dma_wait3A_674 = arith.constant 0 : i32
          %dma_wait3A_675 = arith.constant 0 : i32
          %dma_wait3A_676 = tpu.memref_slice %arg5[%rem3A_667, %dma_wait3A_674, %dma_wait3A_675] : memref<2x80x128xi32, #tpu.memory_space<vmem>> -> memref<1x80x128xi32, #tpu.memory_space<vmem>>
          %dma_wait3A_677 = tpu.memref_squeeze %dma_wait3A_676 : memref<1x80x128xi32, #tpu.memory_space<vmem>> -> memref<80x128xi32, #tpu.memory_space<vmem>>
          %dma_wait3A_678 = arith.constant 0 : i32
          %dma_wait3A_679 = tpu.memref_slice %arg2[%add3A_665, %dma_wait3A_678] : memref<25600x128xi32, #tpu.memory_space<hbm>> -> memref<80x128xi32, #tpu.memory_space<hbm>>
          tpu.wait_dma2 semaphore(%arg8 : memref<!tpu.dma_semaphore, #tpu.memory_space<semaphore_mem>>) src(%dma_wait3A_679 : memref<80x128xi32, #tpu.memory_space<hbm>>) dst(%dma_wait3A_677 : memref<80x128xi32, #tpu.memory_space<vmem>>)
        } else {
        }
        %jit3A_600 = arith.constant 80 : i32
        %div3A_601 = arith.divsi %add3A_588, %jit3A_600 : i32
        %sign3A_602 = arith.constant 0 : i32
        %sign3A_603 = arith.cmpi sgt, %add3A_588, %sign3A_602 : i32
        %sign3A_604 = arith.extui %sign3A_603 : i1 to i32
        %sign3A_605 = arith.constant 0 : i32
        %sign3A_606 = arith.cmpi slt, %add3A_588, %sign3A_605 : i32
        %sign3A_607 = arith.extui %sign3A_606 : i1 to i32
        %sign3A_608 = arith.subi %sign3A_604, %sign3A_607 : i32
        %sign3A_609 = arith.constant 0 : i32
        %sign3A_610 = arith.cmpi sgt, %jit3A_600, %sign3A_609 : i32
        %sign3A_611 = arith.extui %sign3A_610 : i1 to i32
        %sign3A_612 = arith.constant 0 : i32
        %sign3A_613 = arith.cmpi slt, %jit3A_600, %sign3A_612 : i32
        %sign3A_614 = arith.extui %sign3A_613 : i1 to i32
        %sign3A_615 = arith.subi %sign3A_611, %sign3A_614 : i32
        %ne3A_616 = arith.cmpi ne, %sign3A_608, %sign3A_615 : i32
        %rem3A_617 = arith.remsi %add3A_588, %jit3A_600 : i32
        %ne3A_618 = arith.constant 0 : i32
        %ne3A_619 = arith.cmpi ne, %rem3A_617, %ne3A_618 : i32
        %and3A_620 = arith.andi %ne3A_616, %ne3A_619 : i1
        %sub3A_621 = arith.constant 1 : i32
        %sub3A_622 = arith.subi %div3A_601, %sub3A_621 : i32
        %select_n3A_623 = arith.select %and3A_620, %sub3A_622, %div3A_601 : i32
        %rem3A_624 = arith.constant 2 : i32
        %rem3A_625 = arith.remsi %select_n3A_623, %rem3A_624 : i32
        %rem3A_626 = arith.constant 80 : i32
        %rem3A_627 = arith.remsi %add3A_588, %rem3A_626 : i32
        %dma_start3A_628 = arith.constant 3 : i32
        %dma_start3A_629 = arith.constant 0 : i32
        %dma_start3A_630 = arith.constant 0 : i32
        %dma_start3A_631 = tpu.memref_slice %arg6[%dma_start3A_628, %dma_start3A_629, %dma_start3A_630] : memref<5x128x128xf32, #tpu.memory_space<vmem>> -> memref<1x128x128xf32, #tpu.memory_space<vmem>>
        %dma_start3A_632 = tpu.memref_squeeze %dma_start3A_631 : memref<1x128x128xf32, #tpu.memory_space<vmem>> -> memref<128x128xf32, #tpu.memory_space<vmem>>
        %dma_start3A_633 = arith.constant 0 : i32
        %dma_start3A_634 = tpu.memref_slice %arg5[%rem3A_625, %rem3A_627, %dma_start3A_633] : memref<2x80x128xi32, #tpu.memory_space<vmem>> -> memref<1x1x128xi32, #tpu.memory_space<vmem>>
        %dma_start3A_635 = tpu.memref_squeeze %dma_start3A_634 : memref<1x1x128xi32, #tpu.memory_space<vmem>> -> memref<128xi32, #tpu.memory_space<vmem>>
        %dma_start3A_636 = arith.constant 0 : i32
        %dma_start3A_637 = arith.constant 0 : i32
        %dma_start3A_638 = tpu.memref_slice %arg7[%dma_start3A_636, %dma_start3A_637] : memref<100x128xf32, #tpu.memory_space<vmem_shared>> -> memref<100x128xf32, #tpu.memory_space<vmem_shared>>
        tpu.enqueue_indirect_dma source(%dma_start3A_638 : memref<100x128xf32, #tpu.memory_space<vmem_shared>>) target(%dma_start3A_632 : memref<128x128xf32, #tpu.memory_space<vmem>>) offsets(%dma_start3A_635 : memref<128xi32, #tpu.memory_space<vmem>>) semaphore(%arg12 : memref<!tpu.dma_semaphore, #tpu.memory_space<semaphore_mem>>)
      } else {
      }
      %rem3A_265 = arith.constant 80 : i32
      %rem3A_266 = arith.remsi %add3A_208, %rem3A_265 : i32
      %eq3A_267 = arith.constant 79 : i32
      %eq3A_268 = arith.cmpi eq, %rem3A_266, %eq3A_267 : i32
      %lt3A_269 = arith.constant 640 : i32
      %lt3A_270 = arith.cmpi slt, %add3A_208, %lt3A_269 : i32
      %and3A_271 = arith.andi %eq3A_268, %lt3A_270 : i1
      %convert_element_type3A_272 = arith.extui %and3A_271 : i1 to i32
      %cond3A_273 = arith.constant 0 : i32
      %cond3A_274 = arith.cmpi ne, %convert_element_type3A_272, %cond3A_273 : i32
      scf.if %cond3A_274 {
        %add3A_587 = arith.constant 1 : i32
        %add3A_588 = arith.addi %add3A_208, %add3A_587 : i32
        %jit3A_589 = arith.constant 80 : i32
        %div3A_590 = arith.divsi %add3A_588, %jit3A_589 : i32
        %sign3A_591 = arith.constant 0 : i32
        %sign3A_592 = arith.cmpi sgt, %add3A_588, %sign3A_591 : i32
        %sign3A_593 = arith.extui %sign3A_592 : i1 to i32
        %sign3A_594 = arith.constant 0 : i32
        %sign3A_595 = arith.cmpi slt, %add3A_588, %sign3A_594 : i32
        %sign3A_596 = arith.extui %sign3A_595 : i1 to i32
        %sign3A_597 = arith.subi %sign3A_593, %sign3A_596 : i32
        %sign3A_598 = arith.constant 0 : i32
        %sign3A_599 = arith.cmpi sgt, %jit3A_589, %sign3A_598 : i32
        %sign3A_600 = arith.extui %sign3A_599 : i1 to i32
        %sign3A_601 = arith.constant 0 : i32
        %sign3A_602 = arith.cmpi slt, %jit3A_589, %sign3A_601 : i32
        %sign3A_603 = arith.extui %sign3A_602 : i1 to i32
        %sign3A_604 = arith.subi %sign3A_600, %sign3A_603 : i32
        %ne3A_605 = arith.cmpi ne, %sign3A_597, %sign3A_604 : i32
        %rem3A_606 = arith.remsi %add3A_588, %jit3A_589 : i32
        %ne3A_607 = arith.constant 0 : i32
        %ne3A_608 = arith.cmpi ne, %rem3A_606, %ne3A_607 : i32
        %and3A_609 = arith.andi %ne3A_605, %ne3A_608 : i1
        %sub3A_610 = arith.constant 1 : i32
        %sub3A_611 = arith.subi %div3A_590, %sub3A_610 : i32
        %select_n3A_612 = arith.select %and3A_609, %sub3A_611, %div3A_590 : i32
        %add3A_613 = arith.constant 1 : i32
        %add3A_614 = arith.addi %select_n3A_612, %add3A_613 : i32
        %mul3A_615 = arith.constant 80 : i32
        %mul3A_616 = arith.muli %add3A_614, %mul3A_615 : i32
        %add3A_617 = arith.addi %mul3A_2, %mul3A_616 : i32
        %rem3A_618 = arith.constant 2 : i32
        %rem3A_619 = arith.remsi %add3A_614, %rem3A_618 : i32
        %dma_start3A_620 = arith.constant 0 : i32
        %dma_start3A_621 = arith.constant 0 : i32
        %dma_start3A_622 = tpu.memref_slice %arg5[%rem3A_619, %dma_start3A_620, %dma_start3A_621] : memref<2x80x128xi32, #tpu.memory_space<vmem>> -> memref<1x80x128xi32, #tpu.memory_space<vmem>>
        %dma_start3A_623 = tpu.memref_squeeze %dma_start3A_622 : memref<1x80x128xi32, #tpu.memory_space<vmem>> -> memref<80x128xi32, #tpu.memory_space<vmem>>
        %dma_start3A_624 = arith.constant 0 : i32
        %dma_start3A_625 = tpu.memref_slice %arg2[%add3A_617, %dma_start3A_624] : memref<25600x128xi32, #tpu.memory_space<hbm>> -> memref<80x128xi32, #tpu.memory_space<hbm>>
        %dma_start3A_626 = arith.constant 0 : i32
        %dma_start3A_627 = arith.constant 0 : i32
        %dma_start3A_628 = tpu.memref_slice %arg5[%rem3A_619, %dma_start3A_626, %dma_start3A_627] : memref<2x80x128xi32, #tpu.memory_space<vmem>> -> memref<1x80x128xi32, #tpu.memory_space<vmem>>
        %dma_start3A_629 = tpu.memref_squeeze %dma_start3A_628 : memref<1x80x128xi32, #tpu.memory_space<vmem>> -> memref<80x128xi32, #tpu.memory_space<vmem>>
        %dma_start3A_630 = arith.constant 0 : i32
        %dma_start3A_631 = tpu.memref_slice %arg2[%add3A_617, %dma_start3A_630] : memref<25600x128xi32, #tpu.memory_space<hbm>> -> memref<80x128xi32, #tpu.memory_space<hbm>>
        tpu.enqueue_dma source(%dma_start3A_631 : memref<80x128xi32, #tpu.memory_space<hbm>>) target(%dma_start3A_629 : memref<80x128xi32, #tpu.memory_space<vmem>>) target_semaphore(%arg8 : memref<!tpu.dma_semaphore, #tpu.memory_space<semaphore_mem>>)
      } else {
      }
      %mul3A_275 = arith.constant 5 : i32
      %mul3A_276 = arith.muli %scan3A_204, %mul3A_275 : i32
      %add3A_277 = arith.constant 1 : i32
      %add3A_278 = arith.addi %mul3A_276, %add3A_277 : i32
      %jit3A_279 = arith.constant 80 : i32
      %div3A_280 = arith.divsi %add3A_278, %jit3A_279 : i32
      %sign3A_281 = arith.constant 0 : i32
      %sign3A_282 = arith.cmpi sgt, %add3A_278, %sign3A_281 : i32
      %sign3A_283 = arith.extui %sign3A_282 : i1 to i32
      %sign3A_284 = arith.constant 0 : i32
      %sign3A_285 = arith.cmpi slt, %add3A_278, %sign3A_284 : i32
      %sign3A_286 = arith.extui %sign3A_285 : i1 to i32
      %sign3A_287 = arith.subi %sign3A_283, %sign3A_286 : i32
      %sign3A_288 = arith.constant 0 : i32
      %sign3A_289 = arith.cmpi sgt, %jit3A_279, %sign3A_288 : i32
      %sign3A_290 = arith.extui %sign3A_289 : i1 to i32
      %sign3A_291 = arith.constant 0 : i32
      %sign3A_292 = arith.cmpi slt, %jit3A_279, %sign3A_291 : i32
      %sign3A_293 = arith.extui %sign3A_292 : i1 to i32
      %sign3A_294 = arith.subi %sign3A_290, %sign3A_293 : i32
      %ne3A_295 = arith.cmpi ne, %sign3A_287, %sign3A_294 : i32
      %rem3A_296 = arith.remsi %add3A_278, %jit3A_279 : i32
      %ne3A_297 = arith.constant 0 : i32
      %ne3A_298 = arith.cmpi ne, %rem3A_296, %ne3A_297 : i32
      %and3A_299 = arith.andi %ne3A_295, %ne3A_298 : i1
      %sub3A_300 = arith.constant 1 : i32
      %sub3A_301 = arith.subi %div3A_280, %sub3A_300 : i32
      %select_n3A_302 = arith.select %and3A_299, %sub3A_301, %div3A_280 : i32
      %rem3A_303 = arith.constant 2 : i32
      %rem3A_304 = arith.remsi %select_n3A_302, %rem3A_303 : i32
      %rem3A_305 = arith.constant 80 : i32
      %rem3A_306 = arith.remsi %add3A_278, %rem3A_305 : i32
      %dma_wait3A_307 = arith.constant 1 : i32
      %dma_wait3A_308 = arith.constant 0 : i32
      %dma_wait3A_309 = arith.constant 0 : i32
      %dma_wait3A_310 = tpu.memref_slice %arg6[%dma_wait3A_307, %dma_wait3A_308, %dma_wait3A_309] : memref<5x128x128xf32, #tpu.memory_space<vmem>> -> memref<1x128x128xf32, #tpu.memory_space<vmem>>
      %dma_wait3A_311 = tpu.memref_squeeze %dma_wait3A_310 : memref<1x128x128xf32, #tpu.memory_space<vmem>> -> memref<128x128xf32, #tpu.memory_space<vmem>>
      %dma_wait3A_312 = arith.constant 0 : i32
      %dma_wait3A_313 = tpu.memref_slice %arg5[%rem3A_304, %rem3A_306, %dma_wait3A_312] : memref<2x80x128xi32, #tpu.memory_space<vmem>> -> memref<1x1x128xi32, #tpu.memory_space<vmem>>
      %dma_wait3A_314 = tpu.memref_squeeze %dma_wait3A_313 : memref<1x1x128xi32, #tpu.memory_space<vmem>> -> memref<128xi32, #tpu.memory_space<vmem>>
      %dma_wait3A_315 = arith.constant 0 : i32
      %dma_wait3A_316 = arith.constant 0 : i32
      %dma_wait3A_317 = tpu.memref_slice %arg7[%dma_wait3A_315, %dma_wait3A_316] : memref<100x128xf32, #tpu.memory_space<vmem_shared>> -> memref<100x128xf32, #tpu.memory_space<vmem_shared>>
      tpu.wait_indirect_dma semaphore(%arg10 : memref<!tpu.dma_semaphore, #tpu.memory_space<semaphore_mem>>) src(%dma_wait3A_317 : memref<100x128xf32, #tpu.memory_space<vmem_shared>>) dst(%dma_wait3A_311 : memref<128x128xf32, #tpu.memory_space<vmem>>)
      %add3A_318 = arith.addi %mul3A_2, %add3A_278 : i32
      %dma_start3A_319 = arith.constant 1 : i32
      %dma_start3A_320 = arith.constant 0 : i32
      %dma_start3A_321 = arith.constant 0 : i32
      %dma_start3A_322 = tpu.memref_slice %arg6[%dma_start3A_319, %dma_start3A_320, %dma_start3A_321] : memref<5x128x128xf32, #tpu.memory_space<vmem>> -> memref<1x128x128xf32, #tpu.memory_space<vmem>>
      %dma_start3A_323 = tpu.memref_squeeze %dma_start3A_322 : memref<1x128x128xf32, #tpu.memory_space<vmem>> -> memref<128x128xf32, #tpu.memory_space<vmem>>
      %dma_start3A_324 = arith.constant 0 : i32
      %dma_start3A_325 = arith.constant 0 : i32
      %dma_start3A_326 = tpu.memref_slice %arg4[%add3A_318, %dma_start3A_324, %dma_start3A_325] : memref<25600x128x128xf32, #tpu.memory_space<hbm>> -> memref<1x128x128xf32, #tpu.memory_space<hbm>>
      %dma_start3A_327 = tpu.memref_squeeze %dma_start3A_326 : memref<1x128x128xf32, #tpu.memory_space<hbm>> -> memref<128x128xf32, #tpu.memory_space<hbm>>
      %dma_start3A_328 = arith.constant 0 : i32
      %dma_start3A_329 = arith.constant 0 : i32
      %dma_start3A_330 = tpu.memref_slice %arg4[%add3A_318, %dma_start3A_328, %dma_start3A_329] : memref<25600x128x128xf32, #tpu.memory_space<hbm>> -> memref<1x128x128xf32, #tpu.memory_space<hbm>>
      %dma_start3A_331 = tpu.memref_squeeze %dma_start3A_330 : memref<1x128x128xf32, #tpu.memory_space<hbm>> -> memref<128x128xf32, #tpu.memory_space<hbm>>
      %dma_start3A_332 = arith.constant 0 : i32
      %dma_start3A_333 = arith.constant 0 : i32
      %dma_start3A_334 = tpu.memref_slice %arg6[%dma_start3A_319, %dma_start3A_332, %dma_start3A_333] : memref<5x128x128xf32, #tpu.memory_space<vmem>> -> memref<1x128x128xf32, #tpu.memory_space<vmem>>
      %dma_start3A_335 = tpu.memref_squeeze %dma_start3A_334 : memref<1x128x128xf32, #tpu.memory_space<vmem>> -> memref<128x128xf32, #tpu.memory_space<vmem>>
      tpu.enqueue_dma source(%dma_start3A_335 : memref<128x128xf32, #tpu.memory_space<vmem>>) target(%dma_start3A_331 : memref<128x128xf32, #tpu.memory_space<hbm>>) target_semaphore(%arg15 : memref<!tpu.dma_semaphore, #tpu.memory_space<semaphore_mem>>)
      %add3A_336 = arith.constant 3 : i32
      %add3A_337 = arith.addi %add3A_278, %add3A_336 : i32
      %lt3A_338 = arith.constant 800 : i32
      %lt3A_339 = arith.cmpi slt, %add3A_337, %lt3A_338 : i32
      %convert_element_type3A_340 = arith.extui %lt3A_339 : i1 to i32
      %cond3A_341 = arith.constant 0 : i32
      %cond3A_342 = arith.cmpi ne, %convert_element_type3A_340, %cond3A_341 : i32
      scf.if %cond3A_342 {
        %add3A_587 = arith.constant 3 : i32
        %add3A_588 = arith.addi %add3A_278, %add3A_587 : i32
        %ge3A = arith.constant 2 : i32
        %ge3A_589 = arith.cmpi sge, %add3A_278, %ge3A : i32
        %convert_element_type3A_590 = arith.extui %ge3A_589 : i1 to i32
        %cond3A_591 = arith.constant 0 : i32
        %cond3A_592 = arith.cmpi ne, %convert_element_type3A_590, %cond3A_591 : i32
        scf.if %cond3A_592 {
          %sub3A_639 = arith.constant 5 : i32
          %sub3A_640 = arith.subi %add3A_588, %sub3A_639 : i32
          %add3A_641 = arith.addi %mul3A_2, %sub3A_640 : i32
          %dma_wait3A_642 = arith.constant 4 : i32
          %dma_wait3A_643 = arith.constant 0 : i32
          %dma_wait3A_644 = arith.constant 0 : i32
          %dma_wait3A_645 = tpu.memref_slice %arg6[%dma_wait3A_642, %dma_wait3A_643, %dma_wait3A_644] : memref<5x128x128xf32, #tpu.memory_space<vmem>> -> memref<1x128x128xf32, #tpu.memory_space<vmem>>
          %dma_wait3A_646 = tpu.memref_squeeze %dma_wait3A_645 : memref<1x128x128xf32, #tpu.memory_space<vmem>> -> memref<128x128xf32, #tpu.memory_space<vmem>>
          %dma_wait3A_647 = arith.constant 0 : i32
          %dma_wait3A_648 = arith.constant 0 : i32
          %dma_wait3A_649 = tpu.memref_slice %arg4[%add3A_641, %dma_wait3A_647, %dma_wait3A_648] : memref<25600x128x128xf32, #tpu.memory_space<hbm>> -> memref<1x128x128xf32, #tpu.memory_space<hbm>>
          %dma_wait3A_650 = tpu.memref_squeeze %dma_wait3A_649 : memref<1x128x128xf32, #tpu.memory_space<hbm>> -> memref<128x128xf32, #tpu.memory_space<hbm>>
          %dma_wait3A_651 = arith.constant 0 : i32
          %dma_wait3A_652 = arith.constant 0 : i32
          %dma_wait3A_653 = tpu.memref_slice %arg4[%add3A_641, %dma_wait3A_651, %dma_wait3A_652] : memref<25600x128x128xf32, #tpu.memory_space<hbm>> -> memref<1x128x128xf32, #tpu.memory_space<hbm>>
          %dma_wait3A_654 = tpu.memref_squeeze %dma_wait3A_653 : memref<1x128x128xf32, #tpu.memory_space<hbm>> -> memref<128x128xf32, #tpu.memory_space<hbm>>
          %dma_wait3A_655 = arith.constant 0 : i32
          %dma_wait3A_656 = arith.constant 0 : i32
          %dma_wait3A_657 = tpu.memref_slice %arg6[%dma_wait3A_642, %dma_wait3A_655, %dma_wait3A_656] : memref<5x128x128xf32, #tpu.memory_space<vmem>> -> memref<1x128x128xf32, #tpu.memory_space<vmem>>
          %dma_wait3A_658 = tpu.memref_squeeze %dma_wait3A_657 : memref<1x128x128xf32, #tpu.memory_space<vmem>> -> memref<128x128xf32, #tpu.memory_space<vmem>>
          tpu.wait_dma2 semaphore(%arg18 : memref<!tpu.dma_semaphore, #tpu.memory_space<semaphore_mem>>) src(%dma_wait3A_658 : memref<128x128xf32, #tpu.memory_space<vmem>>) dst(%dma_wait3A_654 : memref<128x128xf32, #tpu.memory_space<hbm>>)
        } else {
        }
        %rem3A_593 = arith.constant 80 : i32
        %rem3A_594 = arith.remsi %add3A_588, %rem3A_593 : i32
        %eq3A_595 = arith.constant 0 : i32
        %eq3A_596 = arith.cmpi eq, %rem3A_594, %eq3A_595 : i32
        %convert_element_type3A_597 = arith.extui %eq3A_596 : i1 to i32
        %cond3A_598 = arith.constant 0 : i32
        %cond3A_599 = arith.cmpi ne, %convert_element_type3A_597, %cond3A_598 : i32
        scf.if %cond3A_599 {
          %jit3A_639 = arith.constant 80 : i32
          %div3A_640 = arith.divsi %add3A_588, %jit3A_639 : i32
          %sign3A_641 = arith.constant 0 : i32
          %sign3A_642 = arith.cmpi sgt, %add3A_588, %sign3A_641 : i32
          %sign3A_643 = arith.extui %sign3A_642 : i1 to i32
          %sign3A_644 = arith.constant 0 : i32
          %sign3A_645 = arith.cmpi slt, %add3A_588, %sign3A_644 : i32
          %sign3A_646 = arith.extui %sign3A_645 : i1 to i32
          %sign3A_647 = arith.subi %sign3A_643, %sign3A_646 : i32
          %sign3A_648 = arith.constant 0 : i32
          %sign3A_649 = arith.cmpi sgt, %jit3A_639, %sign3A_648 : i32
          %sign3A_650 = arith.extui %sign3A_649 : i1 to i32
          %sign3A_651 = arith.constant 0 : i32
          %sign3A_652 = arith.cmpi slt, %jit3A_639, %sign3A_651 : i32
          %sign3A_653 = arith.extui %sign3A_652 : i1 to i32
          %sign3A_654 = arith.subi %sign3A_650, %sign3A_653 : i32
          %ne3A_655 = arith.cmpi ne, %sign3A_647, %sign3A_654 : i32
          %rem3A_656 = arith.remsi %add3A_588, %jit3A_639 : i32
          %ne3A_657 = arith.constant 0 : i32
          %ne3A_658 = arith.cmpi ne, %rem3A_656, %ne3A_657 : i32
          %and3A_659 = arith.andi %ne3A_655, %ne3A_658 : i1
          %sub3A_660 = arith.constant 1 : i32
          %sub3A_661 = arith.subi %div3A_640, %sub3A_660 : i32
          %select_n3A_662 = arith.select %and3A_659, %sub3A_661, %div3A_640 : i32
          %mul3A_663 = arith.constant 80 : i32
          %mul3A_664 = arith.muli %select_n3A_662, %mul3A_663 : i32
          %add3A_665 = arith.addi %mul3A_2, %mul3A_664 : i32
          %rem3A_666 = arith.constant 2 : i32
          %rem3A_667 = arith.remsi %select_n3A_662, %rem3A_666 : i32
          %dma_wait3A_668 = arith.constant 0 : i32
          %dma_wait3A_669 = arith.constant 0 : i32
          %dma_wait3A_670 = tpu.memref_slice %arg5[%rem3A_667, %dma_wait3A_668, %dma_wait3A_669] : memref<2x80x128xi32, #tpu.memory_space<vmem>> -> memref<1x80x128xi32, #tpu.memory_space<vmem>>
          %dma_wait3A_671 = tpu.memref_squeeze %dma_wait3A_670 : memref<1x80x128xi32, #tpu.memory_space<vmem>> -> memref<80x128xi32, #tpu.memory_space<vmem>>
          %dma_wait3A_672 = arith.constant 0 : i32
          %dma_wait3A_673 = tpu.memref_slice %arg2[%add3A_665, %dma_wait3A_672] : memref<25600x128xi32, #tpu.memory_space<hbm>> -> memref<80x128xi32, #tpu.memory_space<hbm>>
          %dma_wait3A_674 = arith.constant 0 : i32
          %dma_wait3A_675 = arith.constant 0 : i32
          %dma_wait3A_676 = tpu.memref_slice %arg5[%rem3A_667, %dma_wait3A_674, %dma_wait3A_675] : memref<2x80x128xi32, #tpu.memory_space<vmem>> -> memref<1x80x128xi32, #tpu.memory_space<vmem>>
          %dma_wait3A_677 = tpu.memref_squeeze %dma_wait3A_676 : memref<1x80x128xi32, #tpu.memory_space<vmem>> -> memref<80x128xi32, #tpu.memory_space<vmem>>
          %dma_wait3A_678 = arith.constant 0 : i32
          %dma_wait3A_679 = tpu.memref_slice %arg2[%add3A_665, %dma_wait3A_678] : memref<25600x128xi32, #tpu.memory_space<hbm>> -> memref<80x128xi32, #tpu.memory_space<hbm>>
          tpu.wait_dma2 semaphore(%arg8 : memref<!tpu.dma_semaphore, #tpu.memory_space<semaphore_mem>>) src(%dma_wait3A_679 : memref<80x128xi32, #tpu.memory_space<hbm>>) dst(%dma_wait3A_677 : memref<80x128xi32, #tpu.memory_space<vmem>>)
        } else {
        }
        %jit3A_600 = arith.constant 80 : i32
        %div3A_601 = arith.divsi %add3A_588, %jit3A_600 : i32
        %sign3A_602 = arith.constant 0 : i32
        %sign3A_603 = arith.cmpi sgt, %add3A_588, %sign3A_602 : i32
        %sign3A_604 = arith.extui %sign3A_603 : i1 to i32
        %sign3A_605 = arith.constant 0 : i32
        %sign3A_606 = arith.cmpi slt, %add3A_588, %sign3A_605 : i32
        %sign3A_607 = arith.extui %sign3A_606 : i1 to i32
        %sign3A_608 = arith.subi %sign3A_604, %sign3A_607 : i32
        %sign3A_609 = arith.constant 0 : i32
        %sign3A_610 = arith.cmpi sgt, %jit3A_600, %sign3A_609 : i32
        %sign3A_611 = arith.extui %sign3A_610 : i1 to i32
        %sign3A_612 = arith.constant 0 : i32
        %sign3A_613 = arith.cmpi slt, %jit3A_600, %sign3A_612 : i32
        %sign3A_614 = arith.extui %sign3A_613 : i1 to i32
        %sign3A_615 = arith.subi %sign3A_611, %sign3A_614 : i32
        %ne3A_616 = arith.cmpi ne, %sign3A_608, %sign3A_615 : i32
        %rem3A_617 = arith.remsi %add3A_588, %jit3A_600 : i32
        %ne3A_618 = arith.constant 0 : i32
        %ne3A_619 = arith.cmpi ne, %rem3A_617, %ne3A_618 : i32
        %and3A_620 = arith.andi %ne3A_616, %ne3A_619 : i1
        %sub3A_621 = arith.constant 1 : i32
        %sub3A_622 = arith.subi %div3A_601, %sub3A_621 : i32
        %select_n3A_623 = arith.select %and3A_620, %sub3A_622, %div3A_601 : i32
        %rem3A_624 = arith.constant 2 : i32
        %rem3A_625 = arith.remsi %select_n3A_623, %rem3A_624 : i32
        %rem3A_626 = arith.constant 80 : i32
        %rem3A_627 = arith.remsi %add3A_588, %rem3A_626 : i32
        %dma_start3A_628 = arith.constant 4 : i32
        %dma_start3A_629 = arith.constant 0 : i32
        %dma_start3A_630 = arith.constant 0 : i32
        %dma_start3A_631 = tpu.memref_slice %arg6[%dma_start3A_628, %dma_start3A_629, %dma_start3A_630] : memref<5x128x128xf32, #tpu.memory_space<vmem>> -> memref<1x128x128xf32, #tpu.memory_space<vmem>>
        %dma_start3A_632 = tpu.memref_squeeze %dma_start3A_631 : memref<1x128x128xf32, #tpu.memory_space<vmem>> -> memref<128x128xf32, #tpu.memory_space<vmem>>
        %dma_start3A_633 = arith.constant 0 : i32
        %dma_start3A_634 = tpu.memref_slice %arg5[%rem3A_625, %rem3A_627, %dma_start3A_633] : memref<2x80x128xi32, #tpu.memory_space<vmem>> -> memref<1x1x128xi32, #tpu.memory_space<vmem>>
        %dma_start3A_635 = tpu.memref_squeeze %dma_start3A_634 : memref<1x1x128xi32, #tpu.memory_space<vmem>> -> memref<128xi32, #tpu.memory_space<vmem>>
        %dma_start3A_636 = arith.constant 0 : i32
        %dma_start3A_637 = arith.constant 0 : i32
        %dma_start3A_638 = tpu.memref_slice %arg7[%dma_start3A_636, %dma_start3A_637] : memref<100x128xf32, #tpu.memory_space<vmem_shared>> -> memref<100x128xf32, #tpu.memory_space<vmem_shared>>
        tpu.enqueue_indirect_dma source(%dma_start3A_638 : memref<100x128xf32, #tpu.memory_space<vmem_shared>>) target(%dma_start3A_632 : memref<128x128xf32, #tpu.memory_space<vmem>>) offsets(%dma_start3A_635 : memref<128xi32, #tpu.memory_space<vmem>>) semaphore(%arg13 : memref<!tpu.dma_semaphore, #tpu.memory_space<semaphore_mem>>)
      } else {
      }
      %rem3A_343 = arith.constant 80 : i32
      %rem3A_344 = arith.remsi %add3A_278, %rem3A_343 : i32
      %eq3A_345 = arith.constant 79 : i32
      %eq3A_346 = arith.cmpi eq, %rem3A_344, %eq3A_345 : i32
      %lt3A_347 = arith.constant 640 : i32
      %lt3A_348 = arith.cmpi slt, %add3A_278, %lt3A_347 : i32
      %and3A_349 = arith.andi %eq3A_346, %lt3A_348 : i1
      %convert_element_type3A_350 = arith.extui %and3A_349 : i1 to i32
      %cond3A_351 = arith.constant 0 : i32
      %cond3A_352 = arith.cmpi ne, %convert_element_type3A_350, %cond3A_351 : i32
      scf.if %cond3A_352 {
        %add3A_587 = arith.constant 1 : i32
        %add3A_588 = arith.addi %add3A_278, %add3A_587 : i32
        %jit3A_589 = arith.constant 80 : i32
        %div3A_590 = arith.divsi %add3A_588, %jit3A_589 : i32
        %sign3A_591 = arith.constant 0 : i32
        %sign3A_592 = arith.cmpi sgt, %add3A_588, %sign3A_591 : i32
        %sign3A_593 = arith.extui %sign3A_592 : i1 to i32
        %sign3A_594 = arith.constant 0 : i32
        %sign3A_595 = arith.cmpi slt, %add3A_588, %sign3A_594 : i32
        %sign3A_596 = arith.extui %sign3A_595 : i1 to i32
        %sign3A_597 = arith.subi %sign3A_593, %sign3A_596 : i32
        %sign3A_598 = arith.constant 0 : i32
        %sign3A_599 = arith.cmpi sgt, %jit3A_589, %sign3A_598 : i32
        %sign3A_600 = arith.extui %sign3A_599 : i1 to i32
        %sign3A_601 = arith.constant 0 : i32
        %sign3A_602 = arith.cmpi slt, %jit3A_589, %sign3A_601 : i32
        %sign3A_603 = arith.extui %sign3A_602 : i1 to i32
        %sign3A_604 = arith.subi %sign3A_600, %sign3A_603 : i32
        %ne3A_605 = arith.cmpi ne, %sign3A_597, %sign3A_604 : i32
        %rem3A_606 = arith.remsi %add3A_588, %jit3A_589 : i32
        %ne3A_607 = arith.constant 0 : i32
        %ne3A_608 = arith.cmpi ne, %rem3A_606, %ne3A_607 : i32
        %and3A_609 = arith.andi %ne3A_605, %ne3A_608 : i1
        %sub3A_610 = arith.constant 1 : i32
        %sub3A_611 = arith.subi %div3A_590, %sub3A_610 : i32
        %select_n3A_612 = arith.select %and3A_609, %sub3A_611, %div3A_590 : i32
        %add3A_613 = arith.constant 1 : i32
        %add3A_614 = arith.addi %select_n3A_612, %add3A_613 : i32
        %mul3A_615 = arith.constant 80 : i32
        %mul3A_616 = arith.muli %add3A_614, %mul3A_615 : i32
        %add3A_617 = arith.addi %mul3A_2, %mul3A_616 : i32
        %rem3A_618 = arith.constant 2 : i32
        %rem3A_619 = arith.remsi %add3A_614, %rem3A_618 : i32
        %dma_start3A_620 = arith.constant 0 : i32
        %dma_start3A_621 = arith.constant 0 : i32
        %dma_start3A_622 = tpu.memref_slice %arg5[%rem3A_619, %dma_start3A_620, %dma_start3A_621] : memref<2x80x128xi32, #tpu.memory_space<vmem>> -> memref<1x80x128xi32, #tpu.memory_space<vmem>>
        %dma_start3A_623 = tpu.memref_squeeze %dma_start3A_622 : memref<1x80x128xi32, #tpu.memory_space<vmem>> -> memref<80x128xi32, #tpu.memory_space<vmem>>
        %dma_start3A_624 = arith.constant 0 : i32
        %dma_start3A_625 = tpu.memref_slice %arg2[%add3A_617, %dma_start3A_624] : memref<25600x128xi32, #tpu.memory_space<hbm>> -> memref<80x128xi32, #tpu.memory_space<hbm>>
        %dma_start3A_626 = arith.constant 0 : i32
        %dma_start3A_627 = arith.constant 0 : i32
        %dma_start3A_628 = tpu.memref_slice %arg5[%rem3A_619, %dma_start3A_626, %dma_start3A_627] : memref<2x80x128xi32, #tpu.memory_space<vmem>> -> memref<1x80x128xi32, #tpu.memory_space<vmem>>
        %dma_start3A_629 = tpu.memref_squeeze %dma_start3A_628 : memref<1x80x128xi32, #tpu.memory_space<vmem>> -> memref<80x128xi32, #tpu.memory_space<vmem>>
        %dma_start3A_630 = arith.constant 0 : i32
        %dma_start3A_631 = tpu.memref_slice %arg2[%add3A_617, %dma_start3A_630] : memref<25600x128xi32, #tpu.memory_space<hbm>> -> memref<80x128xi32, #tpu.memory_space<hbm>>
        tpu.enqueue_dma source(%dma_start3A_631 : memref<80x128xi32, #tpu.memory_space<hbm>>) target(%dma_start3A_629 : memref<80x128xi32, #tpu.memory_space<vmem>>) target_semaphore(%arg8 : memref<!tpu.dma_semaphore, #tpu.memory_space<semaphore_mem>>)
      } else {
      }
      %mul3A_353 = arith.constant 5 : i32
      %mul3A_354 = arith.muli %scan3A_204, %mul3A_353 : i32
      %add3A_355 = arith.constant 2 : i32
      %add3A_356 = arith.addi %mul3A_354, %add3A_355 : i32
      %jit3A_357 = arith.constant 80 : i32
      %div3A_358 = arith.divsi %add3A_356, %jit3A_357 : i32
      %sign3A_359 = arith.constant 0 : i32
      %sign3A_360 = arith.cmpi sgt, %add3A_356, %sign3A_359 : i32
      %sign3A_361 = arith.extui %sign3A_360 : i1 to i32
      %sign3A_362 = arith.constant 0 : i32
      %sign3A_363 = arith.cmpi slt, %add3A_356, %sign3A_362 : i32
      %sign3A_364 = arith.extui %sign3A_363 : i1 to i32
      %sign3A_365 = arith.subi %sign3A_361, %sign3A_364 : i32
      %sign3A_366 = arith.constant 0 : i32
      %sign3A_367 = arith.cmpi sgt, %jit3A_357, %sign3A_366 : i32
      %sign3A_368 = arith.extui %sign3A_367 : i1 to i32
      %sign3A_369 = arith.constant 0 : i32
      %sign3A_370 = arith.cmpi slt, %jit3A_357, %sign3A_369 : i32
      %sign3A_371 = arith.extui %sign3A_370 : i1 to i32
      %sign3A_372 = arith.subi %sign3A_368, %sign3A_371 : i32
      %ne3A_373 = arith.cmpi ne, %sign3A_365, %sign3A_372 : i32
      %rem3A_374 = arith.remsi %add3A_356, %jit3A_357 : i32
      %ne3A_375 = arith.constant 0 : i32
      %ne3A_376 = arith.cmpi ne, %rem3A_374, %ne3A_375 : i32
      %and3A_377 = arith.andi %ne3A_373, %ne3A_376 : i1
      %sub3A_378 = arith.constant 1 : i32
      %sub3A_379 = arith.subi %div3A_358, %sub3A_378 : i32
      %select_n3A_380 = arith.select %and3A_377, %sub3A_379, %div3A_358 : i32
      %rem3A_381 = arith.constant 2 : i32
      %rem3A_382 = arith.remsi %select_n3A_380, %rem3A_381 : i32
      %rem3A_383 = arith.constant 80 : i32
      %rem3A_384 = arith.remsi %add3A_356, %rem3A_383 : i32
      %dma_wait3A_385 = arith.constant 2 : i32
      %dma_wait3A_386 = arith.constant 0 : i32
      %dma_wait3A_387 = arith.constant 0 : i32
      %dma_wait3A_388 = tpu.memref_slice %arg6[%dma_wait3A_385, %dma_wait3A_386, %dma_wait3A_387] : memref<5x128x128xf32, #tpu.memory_space<vmem>> -> memref<1x128x128xf32, #tpu.memory_space<vmem>>
      %dma_wait3A_389 = tpu.memref_squeeze %dma_wait3A_388 : memref<1x128x128xf32, #tpu.memory_space<vmem>> -> memref<128x128xf32, #tpu.memory_space<vmem>>
      %dma_wait3A_390 = arith.constant 0 : i32
      %dma_wait3A_391 = tpu.memref_slice %arg5[%rem3A_382, %rem3A_384, %dma_wait3A_390] : memref<2x80x128xi32, #tpu.memory_space<vmem>> -> memref<1x1x128xi32, #tpu.memory_space<vmem>>
      %dma_wait3A_392 = tpu.memref_squeeze %dma_wait3A_391 : memref<1x1x128xi32, #tpu.memory_space<vmem>> -> memref<128xi32, #tpu.memory_space<vmem>>
      %dma_wait3A_393 = arith.constant 0 : i32
      %dma_wait3A_394 = arith.constant 0 : i32
      %dma_wait3A_395 = tpu.memref_slice %arg7[%dma_wait3A_393, %dma_wait3A_394] : memref<100x128xf32, #tpu.memory_space<vmem_shared>> -> memref<100x128xf32, #tpu.memory_space<vmem_shared>>
      tpu.wait_indirect_dma semaphore(%arg11 : memref<!tpu.dma_semaphore, #tpu.memory_space<semaphore_mem>>) src(%dma_wait3A_395 : memref<100x128xf32, #tpu.memory_space<vmem_shared>>) dst(%dma_wait3A_389 : memref<128x128xf32, #tpu.memory_space<vmem>>)
      %add3A_396 = arith.addi %mul3A_2, %add3A_356 : i32
      %dma_start3A_397 = arith.constant 2 : i32
      %dma_start3A_398 = arith.constant 0 : i32
      %dma_start3A_399 = arith.constant 0 : i32
      %dma_start3A_400 = tpu.memref_slice %arg6[%dma_start3A_397, %dma_start3A_398, %dma_start3A_399] : memref<5x128x128xf32, #tpu.memory_space<vmem>> -> memref<1x128x128xf32, #tpu.memory_space<vmem>>
      %dma_start3A_401 = tpu.memref_squeeze %dma_start3A_400 : memref<1x128x128xf32, #tpu.memory_space<vmem>> -> memref<128x128xf32, #tpu.memory_space<vmem>>
      %dma_start3A_402 = arith.constant 0 : i32
      %dma_start3A_403 = arith.constant 0 : i32
      %dma_start3A_404 = tpu.memref_slice %arg4[%add3A_396, %dma_start3A_402, %dma_start3A_403] : memref<25600x128x128xf32, #tpu.memory_space<hbm>> -> memref<1x128x128xf32, #tpu.memory_space<hbm>>
      %dma_start3A_405 = tpu.memref_squeeze %dma_start3A_404 : memref<1x128x128xf32, #tpu.memory_space<hbm>> -> memref<128x128xf32, #tpu.memory_space<hbm>>
      %dma_start3A_406 = arith.constant 0 : i32
      %dma_start3A_407 = arith.constant 0 : i32
      %dma_start3A_408 = tpu.memref_slice %arg4[%add3A_396, %dma_start3A_406, %dma_start3A_407] : memref<25600x128x128xf32, #tpu.memory_space<hbm>> -> memref<1x128x128xf32, #tpu.memory_space<hbm>>
      %dma_start3A_409 = tpu.memref_squeeze %dma_start3A_408 : memref<1x128x128xf32, #tpu.memory_space<hbm>> -> memref<128x128xf32, #tpu.memory_space<hbm>>
      %dma_start3A_410 = arith.constant 0 : i32
      %dma_start3A_411 = arith.constant 0 : i32
      %dma_start3A_412 = tpu.memref_slice %arg6[%dma_start3A_397, %dma_start3A_410, %dma_start3A_411] : memref<5x128x128xf32, #tpu.memory_space<vmem>> -> memref<1x128x128xf32, #tpu.memory_space<vmem>>
      %dma_start3A_413 = tpu.memref_squeeze %dma_start3A_412 : memref<1x128x128xf32, #tpu.memory_space<vmem>> -> memref<128x128xf32, #tpu.memory_space<vmem>>
      tpu.enqueue_dma source(%dma_start3A_413 : memref<128x128xf32, #tpu.memory_space<vmem>>) target(%dma_start3A_409 : memref<128x128xf32, #tpu.memory_space<hbm>>) target_semaphore(%arg16 : memref<!tpu.dma_semaphore, #tpu.memory_space<semaphore_mem>>)
      %add3A_414 = arith.constant 3 : i32
      %add3A_415 = arith.addi %add3A_356, %add3A_414 : i32
      %lt3A_416 = arith.constant 800 : i32
      %lt3A_417 = arith.cmpi slt, %add3A_415, %lt3A_416 : i32
      %convert_element_type3A_418 = arith.extui %lt3A_417 : i1 to i32
      %cond3A_419 = arith.constant 0 : i32
      %cond3A_420 = arith.cmpi ne, %convert_element_type3A_418, %cond3A_419 : i32
      scf.if %cond3A_420 {
        %add3A_587 = arith.constant 3 : i32
        %add3A_588 = arith.addi %add3A_356, %add3A_587 : i32
        %ge3A = arith.constant 2 : i32
        %ge3A_589 = arith.cmpi sge, %add3A_356, %ge3A : i32
        %convert_element_type3A_590 = arith.extui %ge3A_589 : i1 to i32
        %cond3A_591 = arith.constant 0 : i32
        %cond3A_592 = arith.cmpi ne, %convert_element_type3A_590, %cond3A_591 : i32
        scf.if %cond3A_592 {
          %sub3A_639 = arith.constant 5 : i32
          %sub3A_640 = arith.subi %add3A_588, %sub3A_639 : i32
          %add3A_641 = arith.addi %mul3A_2, %sub3A_640 : i32
          %dma_wait3A_642 = arith.constant 0 : i32
          %dma_wait3A_643 = arith.constant 0 : i32
          %dma_wait3A_644 = arith.constant 0 : i32
          %dma_wait3A_645 = tpu.memref_slice %arg6[%dma_wait3A_642, %dma_wait3A_643, %dma_wait3A_644] : memref<5x128x128xf32, #tpu.memory_space<vmem>> -> memref<1x128x128xf32, #tpu.memory_space<vmem>>
          %dma_wait3A_646 = tpu.memref_squeeze %dma_wait3A_645 : memref<1x128x128xf32, #tpu.memory_space<vmem>> -> memref<128x128xf32, #tpu.memory_space<vmem>>
          %dma_wait3A_647 = arith.constant 0 : i32
          %dma_wait3A_648 = arith.constant 0 : i32
          %dma_wait3A_649 = tpu.memref_slice %arg4[%add3A_641, %dma_wait3A_647, %dma_wait3A_648] : memref<25600x128x128xf32, #tpu.memory_space<hbm>> -> memref<1x128x128xf32, #tpu.memory_space<hbm>>
          %dma_wait3A_650 = tpu.memref_squeeze %dma_wait3A_649 : memref<1x128x128xf32, #tpu.memory_space<hbm>> -> memref<128x128xf32, #tpu.memory_space<hbm>>
          %dma_wait3A_651 = arith.constant 0 : i32
          %dma_wait3A_652 = arith.constant 0 : i32
          %dma_wait3A_653 = tpu.memref_slice %arg4[%add3A_641, %dma_wait3A_651, %dma_wait3A_652] : memref<25600x128x128xf32, #tpu.memory_space<hbm>> -> memref<1x128x128xf32, #tpu.memory_space<hbm>>
          %dma_wait3A_654 = tpu.memref_squeeze %dma_wait3A_653 : memref<1x128x128xf32, #tpu.memory_space<hbm>> -> memref<128x128xf32, #tpu.memory_space<hbm>>
          %dma_wait3A_655 = arith.constant 0 : i32
          %dma_wait3A_656 = arith.constant 0 : i32
          %dma_wait3A_657 = tpu.memref_slice %arg6[%dma_wait3A_642, %dma_wait3A_655, %dma_wait3A_656] : memref<5x128x128xf32, #tpu.memory_space<vmem>> -> memref<1x128x128xf32, #tpu.memory_space<vmem>>
          %dma_wait3A_658 = tpu.memref_squeeze %dma_wait3A_657 : memref<1x128x128xf32, #tpu.memory_space<vmem>> -> memref<128x128xf32, #tpu.memory_space<vmem>>
          tpu.wait_dma2 semaphore(%arg14 : memref<!tpu.dma_semaphore, #tpu.memory_space<semaphore_mem>>) src(%dma_wait3A_658 : memref<128x128xf32, #tpu.memory_space<vmem>>) dst(%dma_wait3A_654 : memref<128x128xf32, #tpu.memory_space<hbm>>)
        } else {
        }
        %rem3A_593 = arith.constant 80 : i32
        %rem3A_594 = arith.remsi %add3A_588, %rem3A_593 : i32
        %eq3A_595 = arith.constant 0 : i32
        %eq3A_596 = arith.cmpi eq, %rem3A_594, %eq3A_595 : i32
        %convert_element_type3A_597 = arith.extui %eq3A_596 : i1 to i32
        %cond3A_598 = arith.constant 0 : i32
        %cond3A_599 = arith.cmpi ne, %convert_element_type3A_597, %cond3A_598 : i32
        scf.if %cond3A_599 {
          %jit3A_639 = arith.constant 80 : i32
          %div3A_640 = arith.divsi %add3A_588, %jit3A_639 : i32
          %sign3A_641 = arith.constant 0 : i32
          %sign3A_642 = arith.cmpi sgt, %add3A_588, %sign3A_641 : i32
          %sign3A_643 = arith.extui %sign3A_642 : i1 to i32
          %sign3A_644 = arith.constant 0 : i32
          %sign3A_645 = arith.cmpi slt, %add3A_588, %sign3A_644 : i32
          %sign3A_646 = arith.extui %sign3A_645 : i1 to i32
          %sign3A_647 = arith.subi %sign3A_643, %sign3A_646 : i32
          %sign3A_648 = arith.constant 0 : i32
          %sign3A_649 = arith.cmpi sgt, %jit3A_639, %sign3A_648 : i32
          %sign3A_650 = arith.extui %sign3A_649 : i1 to i32
          %sign3A_651 = arith.constant 0 : i32
          %sign3A_652 = arith.cmpi slt, %jit3A_639, %sign3A_651 : i32
          %sign3A_653 = arith.extui %sign3A_652 : i1 to i32
          %sign3A_654 = arith.subi %sign3A_650, %sign3A_653 : i32
          %ne3A_655 = arith.cmpi ne, %sign3A_647, %sign3A_654 : i32
          %rem3A_656 = arith.remsi %add3A_588, %jit3A_639 : i32
          %ne3A_657 = arith.constant 0 : i32
          %ne3A_658 = arith.cmpi ne, %rem3A_656, %ne3A_657 : i32
          %and3A_659 = arith.andi %ne3A_655, %ne3A_658 : i1
          %sub3A_660 = arith.constant 1 : i32
          %sub3A_661 = arith.subi %div3A_640, %sub3A_660 : i32
          %select_n3A_662 = arith.select %and3A_659, %sub3A_661, %div3A_640 : i32
          %mul3A_663 = arith.constant 80 : i32
          %mul3A_664 = arith.muli %select_n3A_662, %mul3A_663 : i32
          %add3A_665 = arith.addi %mul3A_2, %mul3A_664 : i32
          %rem3A_666 = arith.constant 2 : i32
          %rem3A_667 = arith.remsi %select_n3A_662, %rem3A_666 : i32
          %dma_wait3A_668 = arith.constant 0 : i32
          %dma_wait3A_669 = arith.constant 0 : i32
          %dma_wait3A_670 = tpu.memref_slice %arg5[%rem3A_667, %dma_wait3A_668, %dma_wait3A_669] : memref<2x80x128xi32, #tpu.memory_space<vmem>> -> memref<1x80x128xi32, #tpu.memory_space<vmem>>
          %dma_wait3A_671 = tpu.memref_squeeze %dma_wait3A_670 : memref<1x80x128xi32, #tpu.memory_space<vmem>> -> memref<80x128xi32, #tpu.memory_space<vmem>>
          %dma_wait3A_672 = arith.constant 0 : i32
          %dma_wait3A_673 = tpu.memref_slice %arg2[%add3A_665, %dma_wait3A_672] : memref<25600x128xi32, #tpu.memory_space<hbm>> -> memref<80x128xi32, #tpu.memory_space<hbm>>
          %dma_wait3A_674 = arith.constant 0 : i32
          %dma_wait3A_675 = arith.constant 0 : i32
          %dma_wait3A_676 = tpu.memref_slice %arg5[%rem3A_667, %dma_wait3A_674, %dma_wait3A_675] : memref<2x80x128xi32, #tpu.memory_space<vmem>> -> memref<1x80x128xi32, #tpu.memory_space<vmem>>
          %dma_wait3A_677 = tpu.memref_squeeze %dma_wait3A_676 : memref<1x80x128xi32, #tpu.memory_space<vmem>> -> memref<80x128xi32, #tpu.memory_space<vmem>>
          %dma_wait3A_678 = arith.constant 0 : i32
          %dma_wait3A_679 = tpu.memref_slice %arg2[%add3A_665, %dma_wait3A_678] : memref<25600x128xi32, #tpu.memory_space<hbm>> -> memref<80x128xi32, #tpu.memory_space<hbm>>
          tpu.wait_dma2 semaphore(%arg8 : memref<!tpu.dma_semaphore, #tpu.memory_space<semaphore_mem>>) src(%dma_wait3A_679 : memref<80x128xi32, #tpu.memory_space<hbm>>) dst(%dma_wait3A_677 : memref<80x128xi32, #tpu.memory_space<vmem>>)
        } else {
        }
        %jit3A_600 = arith.constant 80 : i32
        %div3A_601 = arith.divsi %add3A_588, %jit3A_600 : i32
        %sign3A_602 = arith.constant 0 : i32
        %sign3A_603 = arith.cmpi sgt, %add3A_588, %sign3A_602 : i32
        %sign3A_604 = arith.extui %sign3A_603 : i1 to i32
        %sign3A_605 = arith.constant 0 : i32
        %sign3A_606 = arith.cmpi slt, %add3A_588, %sign3A_605 : i32
        %sign3A_607 = arith.extui %sign3A_606 : i1 to i32
        %sign3A_608 = arith.subi %sign3A_604, %sign3A_607 : i32
        %sign3A_609 = arith.constant 0 : i32
        %sign3A_610 = arith.cmpi sgt, %jit3A_600, %sign3A_609 : i32
        %sign3A_611 = arith.extui %sign3A_610 : i1 to i32
        %sign3A_612 = arith.constant 0 : i32
        %sign3A_613 = arith.cmpi slt, %jit3A_600, %sign3A_612 : i32
        %sign3A_614 = arith.extui %sign3A_613 : i1 to i32
        %sign3A_615 = arith.subi %sign3A_611, %sign3A_614 : i32
        %ne3A_616 = arith.cmpi ne, %sign3A_608, %sign3A_615 : i32
        %rem3A_617 = arith.remsi %add3A_588, %jit3A_600 : i32
        %ne3A_618 = arith.constant 0 : i32
        %ne3A_619 = arith.cmpi ne, %rem3A_617, %ne3A_618 : i32
        %and3A_620 = arith.andi %ne3A_616, %ne3A_619 : i1
        %sub3A_621 = arith.constant 1 : i32
        %sub3A_622 = arith.subi %div3A_601, %sub3A_621 : i32
        %select_n3A_623 = arith.select %and3A_620, %sub3A_622, %div3A_601 : i32
        %rem3A_624 = arith.constant 2 : i32
        %rem3A_625 = arith.remsi %select_n3A_623, %rem3A_624 : i32
        %rem3A_626 = arith.constant 80 : i32
        %rem3A_627 = arith.remsi %add3A_588, %rem3A_626 : i32
        %dma_start3A_628 = arith.constant 0 : i32
        %dma_start3A_629 = arith.constant 0 : i32
        %dma_start3A_630 = arith.constant 0 : i32
        %dma_start3A_631 = tpu.memref_slice %arg6[%dma_start3A_628, %dma_start3A_629, %dma_start3A_630] : memref<5x128x128xf32, #tpu.memory_space<vmem>> -> memref<1x128x128xf32, #tpu.memory_space<vmem>>
        %dma_start3A_632 = tpu.memref_squeeze %dma_start3A_631 : memref<1x128x128xf32, #tpu.memory_space<vmem>> -> memref<128x128xf32, #tpu.memory_space<vmem>>
        %dma_start3A_633 = arith.constant 0 : i32
        %dma_start3A_634 = tpu.memref_slice %arg5[%rem3A_625, %rem3A_627, %dma_start3A_633] : memref<2x80x128xi32, #tpu.memory_space<vmem>> -> memref<1x1x128xi32, #tpu.memory_space<vmem>>
        %dma_start3A_635 = tpu.memref_squeeze %dma_start3A_634 : memref<1x1x128xi32, #tpu.memory_space<vmem>> -> memref<128xi32, #tpu.memory_space<vmem>>
        %dma_start3A_636 = arith.constant 0 : i32
        %dma_start3A_637 = arith.constant 0 : i32
        %dma_start3A_638 = tpu.memref_slice %arg7[%dma_start3A_636, %dma_start3A_637] : memref<100x128xf32, #tpu.memory_space<vmem_shared>> -> memref<100x128xf32, #tpu.memory_space<vmem_shared>>
        tpu.enqueue_indirect_dma source(%dma_start3A_638 : memref<100x128xf32, #tpu.memory_space<vmem_shared>>) target(%dma_start3A_632 : memref<128x128xf32, #tpu.memory_space<vmem>>) offsets(%dma_start3A_635 : memref<128xi32, #tpu.memory_space<vmem>>) semaphore(%arg9 : memref<!tpu.dma_semaphore, #tpu.memory_space<semaphore_mem>>)
      } else {
      }
      %rem3A_421 = arith.constant 80 : i32
      %rem3A_422 = arith.remsi %add3A_356, %rem3A_421 : i32
      %eq3A_423 = arith.constant 79 : i32
      %eq3A_424 = arith.cmpi eq, %rem3A_422, %eq3A_423 : i32
      %lt3A_425 = arith.constant 640 : i32
      %lt3A_426 = arith.cmpi slt, %add3A_356, %lt3A_425 : i32
      %and3A_427 = arith.andi %eq3A_424, %lt3A_426 : i1
      %convert_element_type3A_428 = arith.extui %and3A_427 : i1 to i32
      %cond3A_429 = arith.constant 0 : i32
      %cond3A_430 = arith.cmpi ne, %convert_element_type3A_428, %cond3A_429 : i32
      scf.if %cond3A_430 {
        %add3A_587 = arith.constant 1 : i32
        %add3A_588 = arith.addi %add3A_356, %add3A_587 : i32
        %jit3A_589 = arith.constant 80 : i32
        %div3A_590 = arith.divsi %add3A_588, %jit3A_589 : i32
        %sign3A_591 = arith.constant 0 : i32
        %sign3A_592 = arith.cmpi sgt, %add3A_588, %sign3A_591 : i32
        %sign3A_593 = arith.extui %sign3A_592 : i1 to i32
        %sign3A_594 = arith.constant 0 : i32
        %sign3A_595 = arith.cmpi slt, %add3A_588, %sign3A_594 : i32
        %sign3A_596 = arith.extui %sign3A_595 : i1 to i32
        %sign3A_597 = arith.subi %sign3A_593, %sign3A_596 : i32
        %sign3A_598 = arith.constant 0 : i32
        %sign3A_599 = arith.cmpi sgt, %jit3A_589, %sign3A_598 : i32
        %sign3A_600 = arith.extui %sign3A_599 : i1 to i32
        %sign3A_601 = arith.constant 0 : i32
        %sign3A_602 = arith.cmpi slt, %jit3A_589, %sign3A_601 : i32
        %sign3A_603 = arith.extui %sign3A_602 : i1 to i32
        %sign3A_604 = arith.subi %sign3A_600, %sign3A_603 : i32
        %ne3A_605 = arith.cmpi ne, %sign3A_597, %sign3A_604 : i32
        %rem3A_606 = arith.remsi %add3A_588, %jit3A_589 : i32
        %ne3A_607 = arith.constant 0 : i32
        %ne3A_608 = arith.cmpi ne, %rem3A_606, %ne3A_607 : i32
        %and3A_609 = arith.andi %ne3A_605, %ne3A_608 : i1
        %sub3A_610 = arith.constant 1 : i32
        %sub3A_611 = arith.subi %div3A_590, %sub3A_610 : i32
        %select_n3A_612 = arith.select %and3A_609, %sub3A_611, %div3A_590 : i32
        %add3A_613 = arith.constant 1 : i32
        %add3A_614 = arith.addi %select_n3A_612, %add3A_613 : i32
        %mul3A_615 = arith.constant 80 : i32
        %mul3A_616 = arith.muli %add3A_614, %mul3A_615 : i32
        %add3A_617 = arith.addi %mul3A_2, %mul3A_616 : i32
        %rem3A_618 = arith.constant 2 : i32
        %rem3A_619 = arith.remsi %add3A_614, %rem3A_618 : i32
        %dma_start3A_620 = arith.constant 0 : i32
        %dma_start3A_621 = arith.constant 0 : i32
        %dma_start3A_622 = tpu.memref_slice %arg5[%rem3A_619, %dma_start3A_620, %dma_start3A_621] : memref<2x80x128xi32, #tpu.memory_space<vmem>> -> memref<1x80x128xi32, #tpu.memory_space<vmem>>
        %dma_start3A_623 = tpu.memref_squeeze %dma_start3A_622 : memref<1x80x128xi32, #tpu.memory_space<vmem>> -> memref<80x128xi32, #tpu.memory_space<vmem>>
        %dma_start3A_624 = arith.constant 0 : i32
        %dma_start3A_625 = tpu.memref_slice %arg2[%add3A_617, %dma_start3A_624] : memref<25600x128xi32, #tpu.memory_space<hbm>> -> memref<80x128xi32, #tpu.memory_space<hbm>>
        %dma_start3A_626 = arith.constant 0 : i32
        %dma_start3A_627 = arith.constant 0 : i32
        %dma_start3A_628 = tpu.memref_slice %arg5[%rem3A_619, %dma_start3A_626, %dma_start3A_627] : memref<2x80x128xi32, #tpu.memory_space<vmem>> -> memref<1x80x128xi32, #tpu.memory_space<vmem>>
        %dma_start3A_629 = tpu.memref_squeeze %dma_start3A_628 : memref<1x80x128xi32, #tpu.memory_space<vmem>> -> memref<80x128xi32, #tpu.memory_space<vmem>>
        %dma_start3A_630 = arith.constant 0 : i32
        %dma_start3A_631 = tpu.memref_slice %arg2[%add3A_617, %dma_start3A_630] : memref<25600x128xi32, #tpu.memory_space<hbm>> -> memref<80x128xi32, #tpu.memory_space<hbm>>
        tpu.enqueue_dma source(%dma_start3A_631 : memref<80x128xi32, #tpu.memory_space<hbm>>) target(%dma_start3A_629 : memref<80x128xi32, #tpu.memory_space<vmem>>) target_semaphore(%arg8 : memref<!tpu.dma_semaphore, #tpu.memory_space<semaphore_mem>>)
      } else {
      }
      %mul3A_431 = arith.constant 5 : i32
      %mul3A_432 = arith.muli %scan3A_204, %mul3A_431 : i32
      %add3A_433 = arith.constant 3 : i32
      %add3A_434 = arith.addi %mul3A_432, %add3A_433 : i32
      %jit3A_435 = arith.constant 80 : i32
      %div3A_436 = arith.divsi %add3A_434, %jit3A_435 : i32
      %sign3A_437 = arith.constant 0 : i32
      %sign3A_438 = arith.cmpi sgt, %add3A_434, %sign3A_437 : i32
      %sign3A_439 = arith.extui %sign3A_438 : i1 to i32
      %sign3A_440 = arith.constant 0 : i32
      %sign3A_441 = arith.cmpi slt, %add3A_434, %sign3A_440 : i32
      %sign3A_442 = arith.extui %sign3A_441 : i1 to i32
      %sign3A_443 = arith.subi %sign3A_439, %sign3A_442 : i32
      %sign3A_444 = arith.constant 0 : i32
      %sign3A_445 = arith.cmpi sgt, %jit3A_435, %sign3A_444 : i32
      %sign3A_446 = arith.extui %sign3A_445 : i1 to i32
      %sign3A_447 = arith.constant 0 : i32
      %sign3A_448 = arith.cmpi slt, %jit3A_435, %sign3A_447 : i32
      %sign3A_449 = arith.extui %sign3A_448 : i1 to i32
      %sign3A_450 = arith.subi %sign3A_446, %sign3A_449 : i32
      %ne3A_451 = arith.cmpi ne, %sign3A_443, %sign3A_450 : i32
      %rem3A_452 = arith.remsi %add3A_434, %jit3A_435 : i32
      %ne3A_453 = arith.constant 0 : i32
      %ne3A_454 = arith.cmpi ne, %rem3A_452, %ne3A_453 : i32
      %and3A_455 = arith.andi %ne3A_451, %ne3A_454 : i1
      %sub3A_456 = arith.constant 1 : i32
      %sub3A_457 = arith.subi %div3A_436, %sub3A_456 : i32
      %select_n3A_458 = arith.select %and3A_455, %sub3A_457, %div3A_436 : i32
      %rem3A_459 = arith.constant 2 : i32
      %rem3A_460 = arith.remsi %select_n3A_458, %rem3A_459 : i32
      %rem3A_461 = arith.constant 80 : i32
      %rem3A_462 = arith.remsi %add3A_434, %rem3A_461 : i32
      %dma_wait3A_463 = arith.constant 3 : i32
      %dma_wait3A_464 = arith.constant 0 : i32
      %dma_wait3A_465 = arith.constant 0 : i32
      %dma_wait3A_466 = tpu.memref_slice %arg6[%dma_wait3A_463, %dma_wait3A_464, %dma_wait3A_465] : memref<5x128x128xf32, #tpu.memory_space<vmem>> -> memref<1x128x128xf32, #tpu.memory_space<vmem>>
      %dma_wait3A_467 = tpu.memref_squeeze %dma_wait3A_466 : memref<1x128x128xf32, #tpu.memory_space<vmem>> -> memref<128x128xf32, #tpu.memory_space<vmem>>
      %dma_wait3A_468 = arith.constant 0 : i32
      %dma_wait3A_469 = tpu.memref_slice %arg5[%rem3A_460, %rem3A_462, %dma_wait3A_468] : memref<2x80x128xi32, #tpu.memory_space<vmem>> -> memref<1x1x128xi32, #tpu.memory_space<vmem>>
      %dma_wait3A_470 = tpu.memref_squeeze %dma_wait3A_469 : memref<1x1x128xi32, #tpu.memory_space<vmem>> -> memref<128xi32, #tpu.memory_space<vmem>>
      %dma_wait3A_471 = arith.constant 0 : i32
      %dma_wait3A_472 = arith.constant 0 : i32
      %dma_wait3A_473 = tpu.memref_slice %arg7[%dma_wait3A_471, %dma_wait3A_472] : memref<100x128xf32, #tpu.memory_space<vmem_shared>> -> memref<100x128xf32, #tpu.memory_space<vmem_shared>>
      tpu.wait_indirect_dma semaphore(%arg12 : memref<!tpu.dma_semaphore, #tpu.memory_space<semaphore_mem>>) src(%dma_wait3A_473 : memref<100x128xf32, #tpu.memory_space<vmem_shared>>) dst(%dma_wait3A_467 : memref<128x128xf32, #tpu.memory_space<vmem>>)
      %add3A_474 = arith.addi %mul3A_2, %add3A_434 : i32
      %dma_start3A_475 = arith.constant 3 : i32
      %dma_start3A_476 = arith.constant 0 : i32
      %dma_start3A_477 = arith.constant 0 : i32
      %dma_start3A_478 = tpu.memref_slice %arg6[%dma_start3A_475, %dma_start3A_476, %dma_start3A_477] : memref<5x128x128xf32, #tpu.memory_space<vmem>> -> memref<1x128x128xf32, #tpu.memory_space<vmem>>
      %dma_start3A_479 = tpu.memref_squeeze %dma_start3A_478 : memref<1x128x128xf32, #tpu.memory_space<vmem>> -> memref<128x128xf32, #tpu.memory_space<vmem>>
      %dma_start3A_480 = arith.constant 0 : i32
      %dma_start3A_481 = arith.constant 0 : i32
      %dma_start3A_482 = tpu.memref_slice %arg4[%add3A_474, %dma_start3A_480, %dma_start3A_481] : memref<25600x128x128xf32, #tpu.memory_space<hbm>> -> memref<1x128x128xf32, #tpu.memory_space<hbm>>
      %dma_start3A_483 = tpu.memref_squeeze %dma_start3A_482 : memref<1x128x128xf32, #tpu.memory_space<hbm>> -> memref<128x128xf32, #tpu.memory_space<hbm>>
      %dma_start3A_484 = arith.constant 0 : i32
      %dma_start3A_485 = arith.constant 0 : i32
      %dma_start3A_486 = tpu.memref_slice %arg4[%add3A_474, %dma_start3A_484, %dma_start3A_485] : memref<25600x128x128xf32, #tpu.memory_space<hbm>> -> memref<1x128x128xf32, #tpu.memory_space<hbm>>
      %dma_start3A_487 = tpu.memref_squeeze %dma_start3A_486 : memref<1x128x128xf32, #tpu.memory_space<hbm>> -> memref<128x128xf32, #tpu.memory_space<hbm>>
      %dma_start3A_488 = arith.constant 0 : i32
      %dma_start3A_489 = arith.constant 0 : i32
      %dma_start3A_490 = tpu.memref_slice %arg6[%dma_start3A_475, %dma_start3A_488, %dma_start3A_489] : memref<5x128x128xf32, #tpu.memory_space<vmem>> -> memref<1x128x128xf32, #tpu.memory_space<vmem>>
      %dma_start3A_491 = tpu.memref_squeeze %dma_start3A_490 : memref<1x128x128xf32, #tpu.memory_space<vmem>> -> memref<128x128xf32, #tpu.memory_space<vmem>>
      tpu.enqueue_dma source(%dma_start3A_491 : memref<128x128xf32, #tpu.memory_space<vmem>>) target(%dma_start3A_487 : memref<128x128xf32, #tpu.memory_space<hbm>>) target_semaphore(%arg17 : memref<!tpu.dma_semaphore, #tpu.memory_space<semaphore_mem>>)
      %add3A_492 = arith.constant 3 : i32
      %add3A_493 = arith.addi %add3A_434, %add3A_492 : i32
      %lt3A_494 = arith.constant 800 : i32
      %lt3A_495 = arith.cmpi slt, %add3A_493, %lt3A_494 : i32
      %convert_element_type3A_496 = arith.extui %lt3A_495 : i1 to i32
      %cond3A_497 = arith.constant 0 : i32
      %cond3A_498 = arith.cmpi ne, %convert_element_type3A_496, %cond3A_497 : i32
      scf.if %cond3A_498 {
        %add3A_587 = arith.constant 3 : i32
        %add3A_588 = arith.addi %add3A_434, %add3A_587 : i32
        %ge3A = arith.constant 2 : i32
        %ge3A_589 = arith.cmpi sge, %add3A_434, %ge3A : i32
        %convert_element_type3A_590 = arith.extui %ge3A_589 : i1 to i32
        %cond3A_591 = arith.constant 0 : i32
        %cond3A_592 = arith.cmpi ne, %convert_element_type3A_590, %cond3A_591 : i32
        scf.if %cond3A_592 {
          %sub3A_639 = arith.constant 5 : i32
          %sub3A_640 = arith.subi %add3A_588, %sub3A_639 : i32
          %add3A_641 = arith.addi %mul3A_2, %sub3A_640 : i32
          %dma_wait3A_642 = arith.constant 1 : i32
          %dma_wait3A_643 = arith.constant 0 : i32
          %dma_wait3A_644 = arith.constant 0 : i32
          %dma_wait3A_645 = tpu.memref_slice %arg6[%dma_wait3A_642, %dma_wait3A_643, %dma_wait3A_644] : memref<5x128x128xf32, #tpu.memory_space<vmem>> -> memref<1x128x128xf32, #tpu.memory_space<vmem>>
          %dma_wait3A_646 = tpu.memref_squeeze %dma_wait3A_645 : memref<1x128x128xf32, #tpu.memory_space<vmem>> -> memref<128x128xf32, #tpu.memory_space<vmem>>
          %dma_wait3A_647 = arith.constant 0 : i32
          %dma_wait3A_648 = arith.constant 0 : i32
          %dma_wait3A_649 = tpu.memref_slice %arg4[%add3A_641, %dma_wait3A_647, %dma_wait3A_648] : memref<25600x128x128xf32, #tpu.memory_space<hbm>> -> memref<1x128x128xf32, #tpu.memory_space<hbm>>
          %dma_wait3A_650 = tpu.memref_squeeze %dma_wait3A_649 : memref<1x128x128xf32, #tpu.memory_space<hbm>> -> memref<128x128xf32, #tpu.memory_space<hbm>>
          %dma_wait3A_651 = arith.constant 0 : i32
          %dma_wait3A_652 = arith.constant 0 : i32
          %dma_wait3A_653 = tpu.memref_slice %arg4[%add3A_641, %dma_wait3A_651, %dma_wait3A_652] : memref<25600x128x128xf32, #tpu.memory_space<hbm>> -> memref<1x128x128xf32, #tpu.memory_space<hbm>>
          %dma_wait3A_654 = tpu.memref_squeeze %dma_wait3A_653 : memref<1x128x128xf32, #tpu.memory_space<hbm>> -> memref<128x128xf32, #tpu.memory_space<hbm>>
          %dma_wait3A_655 = arith.constant 0 : i32
          %dma_wait3A_656 = arith.constant 0 : i32
          %dma_wait3A_657 = tpu.memref_slice %arg6[%dma_wait3A_642, %dma_wait3A_655, %dma_wait3A_656] : memref<5x128x128xf32, #tpu.memory_space<vmem>> -> memref<1x128x128xf32, #tpu.memory_space<vmem>>
          %dma_wait3A_658 = tpu.memref_squeeze %dma_wait3A_657 : memref<1x128x128xf32, #tpu.memory_space<vmem>> -> memref<128x128xf32, #tpu.memory_space<vmem>>
          tpu.wait_dma2 semaphore(%arg15 : memref<!tpu.dma_semaphore, #tpu.memory_space<semaphore_mem>>) src(%dma_wait3A_658 : memref<128x128xf32, #tpu.memory_space<vmem>>) dst(%dma_wait3A_654 : memref<128x128xf32, #tpu.memory_space<hbm>>)
        } else {
        }
        %rem3A_593 = arith.constant 80 : i32
        %rem3A_594 = arith.remsi %add3A_588, %rem3A_593 : i32
        %eq3A_595 = arith.constant 0 : i32
        %eq3A_596 = arith.cmpi eq, %rem3A_594, %eq3A_595 : i32
        %convert_element_type3A_597 = arith.extui %eq3A_596 : i1 to i32
        %cond3A_598 = arith.constant 0 : i32
        %cond3A_599 = arith.cmpi ne, %convert_element_type3A_597, %cond3A_598 : i32
        scf.if %cond3A_599 {
          %jit3A_639 = arith.constant 80 : i32
          %div3A_640 = arith.divsi %add3A_588, %jit3A_639 : i32
          %sign3A_641 = arith.constant 0 : i32
          %sign3A_642 = arith.cmpi sgt, %add3A_588, %sign3A_641 : i32
          %sign3A_643 = arith.extui %sign3A_642 : i1 to i32
          %sign3A_644 = arith.constant 0 : i32
          %sign3A_645 = arith.cmpi slt, %add3A_588, %sign3A_644 : i32
          %sign3A_646 = arith.extui %sign3A_645 : i1 to i32
          %sign3A_647 = arith.subi %sign3A_643, %sign3A_646 : i32
          %sign3A_648 = arith.constant 0 : i32
          %sign3A_649 = arith.cmpi sgt, %jit3A_639, %sign3A_648 : i32
          %sign3A_650 = arith.extui %sign3A_649 : i1 to i32
          %sign3A_651 = arith.constant 0 : i32
          %sign3A_652 = arith.cmpi slt, %jit3A_639, %sign3A_651 : i32
          %sign3A_653 = arith.extui %sign3A_652 : i1 to i32
          %sign3A_654 = arith.subi %sign3A_650, %sign3A_653 : i32
          %ne3A_655 = arith.cmpi ne, %sign3A_647, %sign3A_654 : i32
          %rem3A_656 = arith.remsi %add3A_588, %jit3A_639 : i32
          %ne3A_657 = arith.constant 0 : i32
          %ne3A_658 = arith.cmpi ne, %rem3A_656, %ne3A_657 : i32
          %and3A_659 = arith.andi %ne3A_655, %ne3A_658 : i1
          %sub3A_660 = arith.constant 1 : i32
          %sub3A_661 = arith.subi %div3A_640, %sub3A_660 : i32
          %select_n3A_662 = arith.select %and3A_659, %sub3A_661, %div3A_640 : i32
          %mul3A_663 = arith.constant 80 : i32
          %mul3A_664 = arith.muli %select_n3A_662, %mul3A_663 : i32
          %add3A_665 = arith.addi %mul3A_2, %mul3A_664 : i32
          %rem3A_666 = arith.constant 2 : i32
          %rem3A_667 = arith.remsi %select_n3A_662, %rem3A_666 : i32
          %dma_wait3A_668 = arith.constant 0 : i32
          %dma_wait3A_669 = arith.constant 0 : i32
          %dma_wait3A_670 = tpu.memref_slice %arg5[%rem3A_667, %dma_wait3A_668, %dma_wait3A_669] : memref<2x80x128xi32, #tpu.memory_space<vmem>> -> memref<1x80x128xi32, #tpu.memory_space<vmem>>
          %dma_wait3A_671 = tpu.memref_squeeze %dma_wait3A_670 : memref<1x80x128xi32, #tpu.memory_space<vmem>> -> memref<80x128xi32, #tpu.memory_space<vmem>>
          %dma_wait3A_672 = arith.constant 0 : i32
          %dma_wait3A_673 = tpu.memref_slice %arg2[%add3A_665, %dma_wait3A_672] : memref<25600x128xi32, #tpu.memory_space<hbm>> -> memref<80x128xi32, #tpu.memory_space<hbm>>
          %dma_wait3A_674 = arith.constant 0 : i32
          %dma_wait3A_675 = arith.constant 0 : i32
          %dma_wait3A_676 = tpu.memref_slice %arg5[%rem3A_667, %dma_wait3A_674, %dma_wait3A_675] : memref<2x80x128xi32, #tpu.memory_space<vmem>> -> memref<1x80x128xi32, #tpu.memory_space<vmem>>
          %dma_wait3A_677 = tpu.memref_squeeze %dma_wait3A_676 : memref<1x80x128xi32, #tpu.memory_space<vmem>> -> memref<80x128xi32, #tpu.memory_space<vmem>>
          %dma_wait3A_678 = arith.constant 0 : i32
          %dma_wait3A_679 = tpu.memref_slice %arg2[%add3A_665, %dma_wait3A_678] : memref<25600x128xi32, #tpu.memory_space<hbm>> -> memref<80x128xi32, #tpu.memory_space<hbm>>
          tpu.wait_dma2 semaphore(%arg8 : memref<!tpu.dma_semaphore, #tpu.memory_space<semaphore_mem>>) src(%dma_wait3A_679 : memref<80x128xi32, #tpu.memory_space<hbm>>) dst(%dma_wait3A_677 : memref<80x128xi32, #tpu.memory_space<vmem>>)
        } else {
        }
        %jit3A_600 = arith.constant 80 : i32
        %div3A_601 = arith.divsi %add3A_588, %jit3A_600 : i32
        %sign3A_602 = arith.constant 0 : i32
        %sign3A_603 = arith.cmpi sgt, %add3A_588, %sign3A_602 : i32
        %sign3A_604 = arith.extui %sign3A_603 : i1 to i32
        %sign3A_605 = arith.constant 0 : i32
        %sign3A_606 = arith.cmpi slt, %add3A_588, %sign3A_605 : i32
        %sign3A_607 = arith.extui %sign3A_606 : i1 to i32
        %sign3A_608 = arith.subi %sign3A_604, %sign3A_607 : i32
        %sign3A_609 = arith.constant 0 : i32
        %sign3A_610 = arith.cmpi sgt, %jit3A_600, %sign3A_609 : i32
        %sign3A_611 = arith.extui %sign3A_610 : i1 to i32
        %sign3A_612 = arith.constant 0 : i32
        %sign3A_613 = arith.cmpi slt, %jit3A_600, %sign3A_612 : i32
        %sign3A_614 = arith.extui %sign3A_613 : i1 to i32
        %sign3A_615 = arith.subi %sign3A_611, %sign3A_614 : i32
        %ne3A_616 = arith.cmpi ne, %sign3A_608, %sign3A_615 : i32
        %rem3A_617 = arith.remsi %add3A_588, %jit3A_600 : i32
        %ne3A_618 = arith.constant 0 : i32
        %ne3A_619 = arith.cmpi ne, %rem3A_617, %ne3A_618 : i32
        %and3A_620 = arith.andi %ne3A_616, %ne3A_619 : i1
        %sub3A_621 = arith.constant 1 : i32
        %sub3A_622 = arith.subi %div3A_601, %sub3A_621 : i32
        %select_n3A_623 = arith.select %and3A_620, %sub3A_622, %div3A_601 : i32
        %rem3A_624 = arith.constant 2 : i32
        %rem3A_625 = arith.remsi %select_n3A_623, %rem3A_624 : i32
        %rem3A_626 = arith.constant 80 : i32
        %rem3A_627 = arith.remsi %add3A_588, %rem3A_626 : i32
        %dma_start3A_628 = arith.constant 1 : i32
        %dma_start3A_629 = arith.constant 0 : i32
        %dma_start3A_630 = arith.constant 0 : i32
        %dma_start3A_631 = tpu.memref_slice %arg6[%dma_start3A_628, %dma_start3A_629, %dma_start3A_630] : memref<5x128x128xf32, #tpu.memory_space<vmem>> -> memref<1x128x128xf32, #tpu.memory_space<vmem>>
        %dma_start3A_632 = tpu.memref_squeeze %dma_start3A_631 : memref<1x128x128xf32, #tpu.memory_space<vmem>> -> memref<128x128xf32, #tpu.memory_space<vmem>>
        %dma_start3A_633 = arith.constant 0 : i32
        %dma_start3A_634 = tpu.memref_slice %arg5[%rem3A_625, %rem3A_627, %dma_start3A_633] : memref<2x80x128xi32, #tpu.memory_space<vmem>> -> memref<1x1x128xi32, #tpu.memory_space<vmem>>
        %dma_start3A_635 = tpu.memref_squeeze %dma_start3A_634 : memref<1x1x128xi32, #tpu.memory_space<vmem>> -> memref<128xi32, #tpu.memory_space<vmem>>
        %dma_start3A_636 = arith.constant 0 : i32
        %dma_start3A_637 = arith.constant 0 : i32
        %dma_start3A_638 = tpu.memref_slice %arg7[%dma_start3A_636, %dma_start3A_637] : memref<100x128xf32, #tpu.memory_space<vmem_shared>> -> memref<100x128xf32, #tpu.memory_space<vmem_shared>>
        tpu.enqueue_indirect_dma source(%dma_start3A_638 : memref<100x128xf32, #tpu.memory_space<vmem_shared>>) target(%dma_start3A_632 : memref<128x128xf32, #tpu.memory_space<vmem>>) offsets(%dma_start3A_635 : memref<128xi32, #tpu.memory_space<vmem>>) semaphore(%arg10 : memref<!tpu.dma_semaphore, #tpu.memory_space<semaphore_mem>>)
      } else {
      }
      %rem3A_499 = arith.constant 80 : i32
      %rem3A_500 = arith.remsi %add3A_434, %rem3A_499 : i32
      %eq3A_501 = arith.constant 79 : i32
      %eq3A_502 = arith.cmpi eq, %rem3A_500, %eq3A_501 : i32
      %lt3A_503 = arith.constant 640 : i32
      %lt3A_504 = arith.cmpi slt, %add3A_434, %lt3A_503 : i32
      %and3A_505 = arith.andi %eq3A_502, %lt3A_504 : i1
      %convert_element_type3A_506 = arith.extui %and3A_505 : i1 to i32
      %cond3A_507 = arith.constant 0 : i32
      %cond3A_508 = arith.cmpi ne, %convert_element_type3A_506, %cond3A_507 : i32
      scf.if %cond3A_508 {
        %add3A_587 = arith.constant 1 : i32
        %add3A_588 = arith.addi %add3A_434, %add3A_587 : i32
        %jit3A_589 = arith.constant 80 : i32
        %div3A_590 = arith.divsi %add3A_588, %jit3A_589 : i32
        %sign3A_591 = arith.constant 0 : i32
        %sign3A_592 = arith.cmpi sgt, %add3A_588, %sign3A_591 : i32
        %sign3A_593 = arith.extui %sign3A_592 : i1 to i32
        %sign3A_594 = arith.constant 0 : i32
        %sign3A_595 = arith.cmpi slt, %add3A_588, %sign3A_594 : i32
        %sign3A_596 = arith.extui %sign3A_595 : i1 to i32
        %sign3A_597 = arith.subi %sign3A_593, %sign3A_596 : i32
        %sign3A_598 = arith.constant 0 : i32
        %sign3A_599 = arith.cmpi sgt, %jit3A_589, %sign3A_598 : i32
        %sign3A_600 = arith.extui %sign3A_599 : i1 to i32
        %sign3A_601 = arith.constant 0 : i32
        %sign3A_602 = arith.cmpi slt, %jit3A_589, %sign3A_601 : i32
        %sign3A_603 = arith.extui %sign3A_602 : i1 to i32
        %sign3A_604 = arith.subi %sign3A_600, %sign3A_603 : i32
        %ne3A_605 = arith.cmpi ne, %sign3A_597, %sign3A_604 : i32
        %rem3A_606 = arith.remsi %add3A_588, %jit3A_589 : i32
        %ne3A_607 = arith.constant 0 : i32
        %ne3A_608 = arith.cmpi ne, %rem3A_606, %ne3A_607 : i32
        %and3A_609 = arith.andi %ne3A_605, %ne3A_608 : i1
        %sub3A_610 = arith.constant 1 : i32
        %sub3A_611 = arith.subi %div3A_590, %sub3A_610 : i32
        %select_n3A_612 = arith.select %and3A_609, %sub3A_611, %div3A_590 : i32
        %add3A_613 = arith.constant 1 : i32
        %add3A_614 = arith.addi %select_n3A_612, %add3A_613 : i32
        %mul3A_615 = arith.constant 80 : i32
        %mul3A_616 = arith.muli %add3A_614, %mul3A_615 : i32
        %add3A_617 = arith.addi %mul3A_2, %mul3A_616 : i32
        %rem3A_618 = arith.constant 2 : i32
        %rem3A_619 = arith.remsi %add3A_614, %rem3A_618 : i32
        %dma_start3A_620 = arith.constant 0 : i32
        %dma_start3A_621 = arith.constant 0 : i32
        %dma_start3A_622 = tpu.memref_slice %arg5[%rem3A_619, %dma_start3A_620, %dma_start3A_621] : memref<2x80x128xi32, #tpu.memory_space<vmem>> -> memref<1x80x128xi32, #tpu.memory_space<vmem>>
        %dma_start3A_623 = tpu.memref_squeeze %dma_start3A_622 : memref<1x80x128xi32, #tpu.memory_space<vmem>> -> memref<80x128xi32, #tpu.memory_space<vmem>>
        %dma_start3A_624 = arith.constant 0 : i32
        %dma_start3A_625 = tpu.memref_slice %arg2[%add3A_617, %dma_start3A_624] : memref<25600x128xi32, #tpu.memory_space<hbm>> -> memref<80x128xi32, #tpu.memory_space<hbm>>
        %dma_start3A_626 = arith.constant 0 : i32
        %dma_start3A_627 = arith.constant 0 : i32
        %dma_start3A_628 = tpu.memref_slice %arg5[%rem3A_619, %dma_start3A_626, %dma_start3A_627] : memref<2x80x128xi32, #tpu.memory_space<vmem>> -> memref<1x80x128xi32, #tpu.memory_space<vmem>>
        %dma_start3A_629 = tpu.memref_squeeze %dma_start3A_628 : memref<1x80x128xi32, #tpu.memory_space<vmem>> -> memref<80x128xi32, #tpu.memory_space<vmem>>
        %dma_start3A_630 = arith.constant 0 : i32
        %dma_start3A_631 = tpu.memref_slice %arg2[%add3A_617, %dma_start3A_630] : memref<25600x128xi32, #tpu.memory_space<hbm>> -> memref<80x128xi32, #tpu.memory_space<hbm>>
        tpu.enqueue_dma source(%dma_start3A_631 : memref<80x128xi32, #tpu.memory_space<hbm>>) target(%dma_start3A_629 : memref<80x128xi32, #tpu.memory_space<vmem>>) target_semaphore(%arg8 : memref<!tpu.dma_semaphore, #tpu.memory_space<semaphore_mem>>)
      } else {
      }
      %mul3A_509 = arith.constant 5 : i32
      %mul3A_510 = arith.muli %scan3A_204, %mul3A_509 : i32
      %add3A_511 = arith.constant 4 : i32
      %add3A_512 = arith.addi %mul3A_510, %add3A_511 : i32
      %jit3A_513 = arith.constant 80 : i32
      %div3A_514 = arith.divsi %add3A_512, %jit3A_513 : i32
      %sign3A_515 = arith.constant 0 : i32
      %sign3A_516 = arith.cmpi sgt, %add3A_512, %sign3A_515 : i32
      %sign3A_517 = arith.extui %sign3A_516 : i1 to i32
      %sign3A_518 = arith.constant 0 : i32
      %sign3A_519 = arith.cmpi slt, %add3A_512, %sign3A_518 : i32
      %sign3A_520 = arith.extui %sign3A_519 : i1 to i32
      %sign3A_521 = arith.subi %sign3A_517, %sign3A_520 : i32
      %sign3A_522 = arith.constant 0 : i32
      %sign3A_523 = arith.cmpi sgt, %jit3A_513, %sign3A_522 : i32
      %sign3A_524 = arith.extui %sign3A_523 : i1 to i32
      %sign3A_525 = arith.constant 0 : i32
      %sign3A_526 = arith.cmpi slt, %jit3A_513, %sign3A_525 : i32
      %sign3A_527 = arith.extui %sign3A_526 : i1 to i32
      %sign3A_528 = arith.subi %sign3A_524, %sign3A_527 : i32
      %ne3A_529 = arith.cmpi ne, %sign3A_521, %sign3A_528 : i32
      %rem3A_530 = arith.remsi %add3A_512, %jit3A_513 : i32
      %ne3A_531 = arith.constant 0 : i32
      %ne3A_532 = arith.cmpi ne, %rem3A_530, %ne3A_531 : i32
      %and3A_533 = arith.andi %ne3A_529, %ne3A_532 : i1
      %sub3A_534 = arith.constant 1 : i32
      %sub3A_535 = arith.subi %div3A_514, %sub3A_534 : i32
      %select_n3A_536 = arith.select %and3A_533, %sub3A_535, %div3A_514 : i32
      %rem3A_537 = arith.constant 2 : i32
      %rem3A_538 = arith.remsi %select_n3A_536, %rem3A_537 : i32
      %rem3A_539 = arith.constant 80 : i32
      %rem3A_540 = arith.remsi %add3A_512, %rem3A_539 : i32
      %dma_wait3A_541 = arith.constant 4 : i32
      %dma_wait3A_542 = arith.constant 0 : i32
      %dma_wait3A_543 = arith.constant 0 : i32
      %dma_wait3A_544 = tpu.memref_slice %arg6[%dma_wait3A_541, %dma_wait3A_542, %dma_wait3A_543] : memref<5x128x128xf32, #tpu.memory_space<vmem>> -> memref<1x128x128xf32, #tpu.memory_space<vmem>>
      %dma_wait3A_545 = tpu.memref_squeeze %dma_wait3A_544 : memref<1x128x128xf32, #tpu.memory_space<vmem>> -> memref<128x128xf32, #tpu.memory_space<vmem>>
      %dma_wait3A_546 = arith.constant 0 : i32
      %dma_wait3A_547 = tpu.memref_slice %arg5[%rem3A_538, %rem3A_540, %dma_wait3A_546] : memref<2x80x128xi32, #tpu.memory_space<vmem>> -> memref<1x1x128xi32, #tpu.memory_space<vmem>>
      %dma_wait3A_548 = tpu.memref_squeeze %dma_wait3A_547 : memref<1x1x128xi32, #tpu.memory_space<vmem>> -> memref<128xi32, #tpu.memory_space<vmem>>
      %dma_wait3A_549 = arith.constant 0 : i32
      %dma_wait3A_550 = arith.constant 0 : i32
      %dma_wait3A_551 = tpu.memref_slice %arg7[%dma_wait3A_549, %dma_wait3A_550] : memref<100x128xf32, #tpu.memory_space<vmem_shared>> -> memref<100x128xf32, #tpu.memory_space<vmem_shared>>
      tpu.wait_indirect_dma semaphore(%arg13 : memref<!tpu.dma_semaphore, #tpu.memory_space<semaphore_mem>>) src(%dma_wait3A_551 : memref<100x128xf32, #tpu.memory_space<vmem_shared>>) dst(%dma_wait3A_545 : memref<128x128xf32, #tpu.memory_space<vmem>>)
      %add3A_552 = arith.addi %mul3A_2, %add3A_512 : i32
      %dma_start3A_553 = arith.constant 4 : i32
      %dma_start3A_554 = arith.constant 0 : i32
      %dma_start3A_555 = arith.constant 0 : i32
      %dma_start3A_556 = tpu.memref_slice %arg6[%dma_start3A_553, %dma_start3A_554, %dma_start3A_555] : memref<5x128x128xf32, #tpu.memory_space<vmem>> -> memref<1x128x128xf32, #tpu.memory_space<vmem>>
      %dma_start3A_557 = tpu.memref_squeeze %dma_start3A_556 : memref<1x128x128xf32, #tpu.memory_space<vmem>> -> memref<128x128xf32, #tpu.memory_space<vmem>>
      %dma_start3A_558 = arith.constant 0 : i32
      %dma_start3A_559 = arith.constant 0 : i32
      %dma_start3A_560 = tpu.memref_slice %arg4[%add3A_552, %dma_start3A_558, %dma_start3A_559] : memref<25600x128x128xf32, #tpu.memory_space<hbm>> -> memref<1x128x128xf32, #tpu.memory_space<hbm>>
      %dma_start3A_561 = tpu.memref_squeeze %dma_start3A_560 : memref<1x128x128xf32, #tpu.memory_space<hbm>> -> memref<128x128xf32, #tpu.memory_space<hbm>>
      %dma_start3A_562 = arith.constant 0 : i32
      %dma_start3A_563 = arith.constant 0 : i32
      %dma_start3A_564 = tpu.memref_slice %arg4[%add3A_552, %dma_start3A_562, %dma_start3A_563] : memref<25600x128x128xf32, #tpu.memory_space<hbm>> -> memref<1x128x128xf32, #tpu.memory_space<hbm>>
      %dma_start3A_565 = tpu.memref_squeeze %dma_start3A_564 : memref<1x128x128xf32, #tpu.memory_space<hbm>> -> memref<128x128xf32, #tpu.memory_space<hbm>>
      %dma_start3A_566 = arith.constant 0 : i32
      %dma_start3A_567 = arith.constant 0 : i32
      %dma_start3A_568 = tpu.memref_slice %arg6[%dma_start3A_553, %dma_start3A_566, %dma_start3A_567] : memref<5x128x128xf32, #tpu.memory_space<vmem>> -> memref<1x128x128xf32, #tpu.memory_space<vmem>>
      %dma_start3A_569 = tpu.memref_squeeze %dma_start3A_568 : memref<1x128x128xf32, #tpu.memory_space<vmem>> -> memref<128x128xf32, #tpu.memory_space<vmem>>
      tpu.enqueue_dma source(%dma_start3A_569 : memref<128x128xf32, #tpu.memory_space<vmem>>) target(%dma_start3A_565 : memref<128x128xf32, #tpu.memory_space<hbm>>) target_semaphore(%arg18 : memref<!tpu.dma_semaphore, #tpu.memory_space<semaphore_mem>>)
      %add3A_570 = arith.constant 3 : i32
      %add3A_571 = arith.addi %add3A_512, %add3A_570 : i32
      %lt3A_572 = arith.constant 800 : i32
      %lt3A_573 = arith.cmpi slt, %add3A_571, %lt3A_572 : i32
      %convert_element_type3A_574 = arith.extui %lt3A_573 : i1 to i32
      %cond3A_575 = arith.constant 0 : i32
      %cond3A_576 = arith.cmpi ne, %convert_element_type3A_574, %cond3A_575 : i32
      scf.if %cond3A_576 {
        %add3A_587 = arith.constant 3 : i32
        %add3A_588 = arith.addi %add3A_512, %add3A_587 : i32
        %ge3A = arith.constant 2 : i32
        %ge3A_589 = arith.cmpi sge, %add3A_512, %ge3A : i32
        %convert_element_type3A_590 = arith.extui %ge3A_589 : i1 to i32
        %cond3A_591 = arith.constant 0 : i32
        %cond3A_592 = arith.cmpi ne, %convert_element_type3A_590, %cond3A_591 : i32
        scf.if %cond3A_592 {
          %sub3A_639 = arith.constant 5 : i32
          %sub3A_640 = arith.subi %add3A_588, %sub3A_639 : i32
          %add3A_641 = arith.addi %mul3A_2, %sub3A_640 : i32
          %dma_wait3A_642 = arith.constant 2 : i32
          %dma_wait3A_643 = arith.constant 0 : i32
          %dma_wait3A_644 = arith.constant 0 : i32
          %dma_wait3A_645 = tpu.memref_slice %arg6[%dma_wait3A_642, %dma_wait3A_643, %dma_wait3A_644] : memref<5x128x128xf32, #tpu.memory_space<vmem>> -> memref<1x128x128xf32, #tpu.memory_space<vmem>>
          %dma_wait3A_646 = tpu.memref_squeeze %dma_wait3A_645 : memref<1x128x128xf32, #tpu.memory_space<vmem>> -> memref<128x128xf32, #tpu.memory_space<vmem>>
          %dma_wait3A_647 = arith.constant 0 : i32
          %dma_wait3A_648 = arith.constant 0 : i32
          %dma_wait3A_649 = tpu.memref_slice %arg4[%add3A_641, %dma_wait3A_647, %dma_wait3A_648] : memref<25600x128x128xf32, #tpu.memory_space<hbm>> -> memref<1x128x128xf32, #tpu.memory_space<hbm>>
          %dma_wait3A_650 = tpu.memref_squeeze %dma_wait3A_649 : memref<1x128x128xf32, #tpu.memory_space<hbm>> -> memref<128x128xf32, #tpu.memory_space<hbm>>
          %dma_wait3A_651 = arith.constant 0 : i32
          %dma_wait3A_652 = arith.constant 0 : i32
          %dma_wait3A_653 = tpu.memref_slice %arg4[%add3A_641, %dma_wait3A_651, %dma_wait3A_652] : memref<25600x128x128xf32, #tpu.memory_space<hbm>> -> memref<1x128x128xf32, #tpu.memory_space<hbm>>
          %dma_wait3A_654 = tpu.memref_squeeze %dma_wait3A_653 : memref<1x128x128xf32, #tpu.memory_space<hbm>> -> memref<128x128xf32, #tpu.memory_space<hbm>>
          %dma_wait3A_655 = arith.constant 0 : i32
          %dma_wait3A_656 = arith.constant 0 : i32
          %dma_wait3A_657 = tpu.memref_slice %arg6[%dma_wait3A_642, %dma_wait3A_655, %dma_wait3A_656] : memref<5x128x128xf32, #tpu.memory_space<vmem>> -> memref<1x128x128xf32, #tpu.memory_space<vmem>>
          %dma_wait3A_658 = tpu.memref_squeeze %dma_wait3A_657 : memref<1x128x128xf32, #tpu.memory_space<vmem>> -> memref<128x128xf32, #tpu.memory_space<vmem>>
          tpu.wait_dma2 semaphore(%arg16 : memref<!tpu.dma_semaphore, #tpu.memory_space<semaphore_mem>>) src(%dma_wait3A_658 : memref<128x128xf32, #tpu.memory_space<vmem>>) dst(%dma_wait3A_654 : memref<128x128xf32, #tpu.memory_space<hbm>>)
        } else {
        }
        %rem3A_593 = arith.constant 80 : i32
        %rem3A_594 = arith.remsi %add3A_588, %rem3A_593 : i32
        %eq3A_595 = arith.constant 0 : i32
        %eq3A_596 = arith.cmpi eq, %rem3A_594, %eq3A_595 : i32
        %convert_element_type3A_597 = arith.extui %eq3A_596 : i1 to i32
        %cond3A_598 = arith.constant 0 : i32
        %cond3A_599 = arith.cmpi ne, %convert_element_type3A_597, %cond3A_598 : i32
        scf.if %cond3A_599 {
          %jit3A_639 = arith.constant 80 : i32
          %div3A_640 = arith.divsi %add3A_588, %jit3A_639 : i32
          %sign3A_641 = arith.constant 0 : i32
          %sign3A_642 = arith.cmpi sgt, %add3A_588, %sign3A_641 : i32
          %sign3A_643 = arith.extui %sign3A_642 : i1 to i32
          %sign3A_644 = arith.constant 0 : i32
          %sign3A_645 = arith.cmpi slt, %add3A_588, %sign3A_644 : i32
          %sign3A_646 = arith.extui %sign3A_645 : i1 to i32
          %sign3A_647 = arith.subi %sign3A_643, %sign3A_646 : i32
          %sign3A_648 = arith.constant 0 : i32
          %sign3A_649 = arith.cmpi sgt, %jit3A_639, %sign3A_648 : i32
          %sign3A_650 = arith.extui %sign3A_649 : i1 to i32
          %sign3A_651 = arith.constant 0 : i32
          %sign3A_652 = arith.cmpi slt, %jit3A_639, %sign3A_651 : i32
          %sign3A_653 = arith.extui %sign3A_652 : i1 to i32
          %sign3A_654 = arith.subi %sign3A_650, %sign3A_653 : i32
          %ne3A_655 = arith.cmpi ne, %sign3A_647, %sign3A_654 : i32
          %rem3A_656 = arith.remsi %add3A_588, %jit3A_639 : i32
          %ne3A_657 = arith.constant 0 : i32
          %ne3A_658 = arith.cmpi ne, %rem3A_656, %ne3A_657 : i32
          %and3A_659 = arith.andi %ne3A_655, %ne3A_658 : i1
          %sub3A_660 = arith.constant 1 : i32
          %sub3A_661 = arith.subi %div3A_640, %sub3A_660 : i32
          %select_n3A_662 = arith.select %and3A_659, %sub3A_661, %div3A_640 : i32
          %mul3A_663 = arith.constant 80 : i32
          %mul3A_664 = arith.muli %select_n3A_662, %mul3A_663 : i32
          %add3A_665 = arith.addi %mul3A_2, %mul3A_664 : i32
          %rem3A_666 = arith.constant 2 : i32
          %rem3A_667 = arith.remsi %select_n3A_662, %rem3A_666 : i32
          %dma_wait3A_668 = arith.constant 0 : i32
          %dma_wait3A_669 = arith.constant 0 : i32
          %dma_wait3A_670 = tpu.memref_slice %arg5[%rem3A_667, %dma_wait3A_668, %dma_wait3A_669] : memref<2x80x128xi32, #tpu.memory_space<vmem>> -> memref<1x80x128xi32, #tpu.memory_space<vmem>>
          %dma_wait3A_671 = tpu.memref_squeeze %dma_wait3A_670 : memref<1x80x128xi32, #tpu.memory_space<vmem>> -> memref<80x128xi32, #tpu.memory_space<vmem>>
          %dma_wait3A_672 = arith.constant 0 : i32
          %dma_wait3A_673 = tpu.memref_slice %arg2[%add3A_665, %dma_wait3A_672] : memref<25600x128xi32, #tpu.memory_space<hbm>> -> memref<80x128xi32, #tpu.memory_space<hbm>>
          %dma_wait3A_674 = arith.constant 0 : i32
          %dma_wait3A_675 = arith.constant 0 : i32
          %dma_wait3A_676 = tpu.memref_slice %arg5[%rem3A_667, %dma_wait3A_674, %dma_wait3A_675] : memref<2x80x128xi32, #tpu.memory_space<vmem>> -> memref<1x80x128xi32, #tpu.memory_space<vmem>>
          %dma_wait3A_677 = tpu.memref_squeeze %dma_wait3A_676 : memref<1x80x128xi32, #tpu.memory_space<vmem>> -> memref<80x128xi32, #tpu.memory_space<vmem>>
          %dma_wait3A_678 = arith.constant 0 : i32
          %dma_wait3A_679 = tpu.memref_slice %arg2[%add3A_665, %dma_wait3A_678] : memref<25600x128xi32, #tpu.memory_space<hbm>> -> memref<80x128xi32, #tpu.memory_space<hbm>>
          tpu.wait_dma2 semaphore(%arg8 : memref<!tpu.dma_semaphore, #tpu.memory_space<semaphore_mem>>) src(%dma_wait3A_679 : memref<80x128xi32, #tpu.memory_space<hbm>>) dst(%dma_wait3A_677 : memref<80x128xi32, #tpu.memory_space<vmem>>)
        } else {
        }
        %jit3A_600 = arith.constant 80 : i32
        %div3A_601 = arith.divsi %add3A_588, %jit3A_600 : i32
        %sign3A_602 = arith.constant 0 : i32
        %sign3A_603 = arith.cmpi sgt, %add3A_588, %sign3A_602 : i32
        %sign3A_604 = arith.extui %sign3A_603 : i1 to i32
        %sign3A_605 = arith.constant 0 : i32
        %sign3A_606 = arith.cmpi slt, %add3A_588, %sign3A_605 : i32
        %sign3A_607 = arith.extui %sign3A_606 : i1 to i32
        %sign3A_608 = arith.subi %sign3A_604, %sign3A_607 : i32
        %sign3A_609 = arith.constant 0 : i32
        %sign3A_610 = arith.cmpi sgt, %jit3A_600, %sign3A_609 : i32
        %sign3A_611 = arith.extui %sign3A_610 : i1 to i32
        %sign3A_612 = arith.constant 0 : i32
        %sign3A_613 = arith.cmpi slt, %jit3A_600, %sign3A_612 : i32
        %sign3A_614 = arith.extui %sign3A_613 : i1 to i32
        %sign3A_615 = arith.subi %sign3A_611, %sign3A_614 : i32
        %ne3A_616 = arith.cmpi ne, %sign3A_608, %sign3A_615 : i32
        %rem3A_617 = arith.remsi %add3A_588, %jit3A_600 : i32
        %ne3A_618 = arith.constant 0 : i32
        %ne3A_619 = arith.cmpi ne, %rem3A_617, %ne3A_618 : i32
        %and3A_620 = arith.andi %ne3A_616, %ne3A_619 : i1
        %sub3A_621 = arith.constant 1 : i32
        %sub3A_622 = arith.subi %div3A_601, %sub3A_621 : i32
        %select_n3A_623 = arith.select %and3A_620, %sub3A_622, %div3A_601 : i32
        %rem3A_624 = arith.constant 2 : i32
        %rem3A_625 = arith.remsi %select_n3A_623, %rem3A_624 : i32
        %rem3A_626 = arith.constant 80 : i32
        %rem3A_627 = arith.remsi %add3A_588, %rem3A_626 : i32
        %dma_start3A_628 = arith.constant 2 : i32
        %dma_start3A_629 = arith.constant 0 : i32
        %dma_start3A_630 = arith.constant 0 : i32
        %dma_start3A_631 = tpu.memref_slice %arg6[%dma_start3A_628, %dma_start3A_629, %dma_start3A_630] : memref<5x128x128xf32, #tpu.memory_space<vmem>> -> memref<1x128x128xf32, #tpu.memory_space<vmem>>
        %dma_start3A_632 = tpu.memref_squeeze %dma_start3A_631 : memref<1x128x128xf32, #tpu.memory_space<vmem>> -> memref<128x128xf32, #tpu.memory_space<vmem>>
        %dma_start3A_633 = arith.constant 0 : i32
        %dma_start3A_634 = tpu.memref_slice %arg5[%rem3A_625, %rem3A_627, %dma_start3A_633] : memref<2x80x128xi32, #tpu.memory_space<vmem>> -> memref<1x1x128xi32, #tpu.memory_space<vmem>>
        %dma_start3A_635 = tpu.memref_squeeze %dma_start3A_634 : memref<1x1x128xi32, #tpu.memory_space<vmem>> -> memref<128xi32, #tpu.memory_space<vmem>>
        %dma_start3A_636 = arith.constant 0 : i32
        %dma_start3A_637 = arith.constant 0 : i32
        %dma_start3A_638 = tpu.memref_slice %arg7[%dma_start3A_636, %dma_start3A_637] : memref<100x128xf32, #tpu.memory_space<vmem_shared>> -> memref<100x128xf32, #tpu.memory_space<vmem_shared>>
        tpu.enqueue_indirect_dma source(%dma_start3A_638 : memref<100x128xf32, #tpu.memory_space<vmem_shared>>) target(%dma_start3A_632 : memref<128x128xf32, #tpu.memory_space<vmem>>) offsets(%dma_start3A_635 : memref<128xi32, #tpu.memory_space<vmem>>) semaphore(%arg11 : memref<!tpu.dma_semaphore, #tpu.memory_space<semaphore_mem>>)
      } else {
      }
      %rem3A_577 = arith.constant 80 : i32
      %rem3A_578 = arith.remsi %add3A_512, %rem3A_577 : i32
      %eq3A_579 = arith.constant 79 : i32
      %eq3A_580 = arith.cmpi eq, %rem3A_578, %eq3A_579 : i32
      %lt3A_581 = arith.constant 640 : i32
      %lt3A_582 = arith.cmpi slt, %add3A_512, %lt3A_581 : i32
      %and3A_583 = arith.andi %eq3A_580, %lt3A_582 : i1
      %convert_element_type3A_584 = arith.extui %and3A_583 : i1 to i32
      %cond3A_585 = arith.constant 0 : i32
      %cond3A_586 = arith.cmpi ne, %convert_element_type3A_584, %cond3A_585 : i32
      scf.if %cond3A_586 {
        %add3A_587 = arith.constant 1 : i32
        %add3A_588 = arith.addi %add3A_512, %add3A_587 : i32
        %jit3A_589 = arith.constant 80 : i32
        %div3A_590 = arith.divsi %add3A_588, %jit3A_589 : i32
        %sign3A_591 = arith.constant 0 : i32
        %sign3A_592 = arith.cmpi sgt, %add3A_588, %sign3A_591 : i32
        %sign3A_593 = arith.extui %sign3A_592 : i1 to i32
        %sign3A_594 = arith.constant 0 : i32
        %sign3A_595 = arith.cmpi slt, %add3A_588, %sign3A_594 : i32
        %sign3A_596 = arith.extui %sign3A_595 : i1 to i32
        %sign3A_597 = arith.subi %sign3A_593, %sign3A_596 : i32
        %sign3A_598 = arith.constant 0 : i32
        %sign3A_599 = arith.cmpi sgt, %jit3A_589, %sign3A_598 : i32
        %sign3A_600 = arith.extui %sign3A_599 : i1 to i32
        %sign3A_601 = arith.constant 0 : i32
        %sign3A_602 = arith.cmpi slt, %jit3A_589, %sign3A_601 : i32
        %sign3A_603 = arith.extui %sign3A_602 : i1 to i32
        %sign3A_604 = arith.subi %sign3A_600, %sign3A_603 : i32
        %ne3A_605 = arith.cmpi ne, %sign3A_597, %sign3A_604 : i32
        %rem3A_606 = arith.remsi %add3A_588, %jit3A_589 : i32
        %ne3A_607 = arith.constant 0 : i32
        %ne3A_608 = arith.cmpi ne, %rem3A_606, %ne3A_607 : i32
        %and3A_609 = arith.andi %ne3A_605, %ne3A_608 : i1
        %sub3A_610 = arith.constant 1 : i32
        %sub3A_611 = arith.subi %div3A_590, %sub3A_610 : i32
        %select_n3A_612 = arith.select %and3A_609, %sub3A_611, %div3A_590 : i32
        %add3A_613 = arith.constant 1 : i32
        %add3A_614 = arith.addi %select_n3A_612, %add3A_613 : i32
        %mul3A_615 = arith.constant 80 : i32
        %mul3A_616 = arith.muli %add3A_614, %mul3A_615 : i32
        %add3A_617 = arith.addi %mul3A_2, %mul3A_616 : i32
        %rem3A_618 = arith.constant 2 : i32
        %rem3A_619 = arith.remsi %add3A_614, %rem3A_618 : i32
        %dma_start3A_620 = arith.constant 0 : i32
        %dma_start3A_621 = arith.constant 0 : i32
        %dma_start3A_622 = tpu.memref_slice %arg5[%rem3A_619, %dma_start3A_620, %dma_start3A_621] : memref<2x80x128xi32, #tpu.memory_space<vmem>> -> memref<1x80x128xi32, #tpu.memory_space<vmem>>
        %dma_start3A_623 = tpu.memref_squeeze %dma_start3A_622 : memref<1x80x128xi32, #tpu.memory_space<vmem>> -> memref<80x128xi32, #tpu.memory_space<vmem>>
        %dma_start3A_624 = arith.constant 0 : i32
        %dma_start3A_625 = tpu.memref_slice %arg2[%add3A_617, %dma_start3A_624] : memref<25600x128xi32, #tpu.memory_space<hbm>> -> memref<80x128xi32, #tpu.memory_space<hbm>>
        %dma_start3A_626 = arith.constant 0 : i32
        %dma_start3A_627 = arith.constant 0 : i32
        %dma_start3A_628 = tpu.memref_slice %arg5[%rem3A_619, %dma_start3A_626, %dma_start3A_627] : memref<2x80x128xi32, #tpu.memory_space<vmem>> -> memref<1x80x128xi32, #tpu.memory_space<vmem>>
        %dma_start3A_629 = tpu.memref_squeeze %dma_start3A_628 : memref<1x80x128xi32, #tpu.memory_space<vmem>> -> memref<80x128xi32, #tpu.memory_space<vmem>>
        %dma_start3A_630 = arith.constant 0 : i32
        %dma_start3A_631 = tpu.memref_slice %arg2[%add3A_617, %dma_start3A_630] : memref<25600x128xi32, #tpu.memory_space<hbm>> -> memref<80x128xi32, #tpu.memory_space<hbm>>
        tpu.enqueue_dma source(%dma_start3A_631 : memref<80x128xi32, #tpu.memory_space<hbm>>) target(%dma_start3A_629 : memref<80x128xi32, #tpu.memory_space<vmem>>) target_semaphore(%arg8 : memref<!tpu.dma_semaphore, #tpu.memory_space<semaphore_mem>>)
      } else {
      }
    }
    %scan3A_108 = arith.constant 160 : i32
    %add3A_109 = arith.constant 795 : i32
    %add3A_110 = arith.addi %mul3A_2, %add3A_109 : i32
    %dma_wait3A_111 = arith.constant 0 : i32
    %dma_wait3A_112 = arith.constant 0 : i32
    %dma_wait3A_113 = arith.constant 0 : i32
    %dma_wait3A_114 = tpu.memref_slice %arg6[%dma_wait3A_111, %dma_wait3A_112, %dma_wait3A_113] : memref<5x128x128xf32, #tpu.memory_space<vmem>> -> memref<1x128x128xf32, #tpu.memory_space<vmem>>
    %dma_wait3A_115 = tpu.memref_squeeze %dma_wait3A_114 : memref<1x128x128xf32, #tpu.memory_space<vmem>> -> memref<128x128xf32, #tpu.memory_space<vmem>>
    %dma_wait3A_116 = arith.constant 0 : i32
    %dma_wait3A_117 = arith.constant 0 : i32
    %dma_wait3A_118 = tpu.memref_slice %arg4[%add3A_110, %dma_wait3A_116, %dma_wait3A_117] : memref<25600x128x128xf32, #tpu.memory_space<hbm>> -> memref<1x128x128xf32, #tpu.memory_space<hbm>>
    %dma_wait3A_119 = tpu.memref_squeeze %dma_wait3A_118 : memref<1x128x128xf32, #tpu.memory_space<hbm>> -> memref<128x128xf32, #tpu.memory_space<hbm>>
    %dma_wait3A_120 = arith.constant 0 : i32
    %dma_wait3A_121 = arith.constant 0 : i32
    %dma_wait3A_122 = tpu.memref_slice %arg4[%add3A_110, %dma_wait3A_120, %dma_wait3A_121] : memref<25600x128x128xf32, #tpu.memory_space<hbm>> -> memref<1x128x128xf32, #tpu.memory_space<hbm>>
    %dma_wait3A_123 = tpu.memref_squeeze %dma_wait3A_122 : memref<1x128x128xf32, #tpu.memory_space<hbm>> -> memref<128x128xf32, #tpu.memory_space<hbm>>
    %dma_wait3A_124 = arith.constant 0 : i32
    %dma_wait3A_125 = arith.constant 0 : i32
    %dma_wait3A_126 = tpu.memref_slice %arg6[%dma_wait3A_111, %dma_wait3A_124, %dma_wait3A_125] : memref<5x128x128xf32, #tpu.memory_space<vmem>> -> memref<1x128x128xf32, #tpu.memory_space<vmem>>
    %dma_wait3A_127 = tpu.memref_squeeze %dma_wait3A_126 : memref<1x128x128xf32, #tpu.memory_space<vmem>> -> memref<128x128xf32, #tpu.memory_space<vmem>>
    tpu.wait_dma2 semaphore(%arg14 : memref<!tpu.dma_semaphore, #tpu.memory_space<semaphore_mem>>) src(%dma_wait3A_127 : memref<128x128xf32, #tpu.memory_space<vmem>>) dst(%dma_wait3A_123 : memref<128x128xf32, #tpu.memory_space<hbm>>)
    %add3A_128 = arith.constant 796 : i32
    %add3A_129 = arith.addi %mul3A_2, %add3A_128 : i32
    %dma_wait3A_130 = arith.constant 1 : i32
    %dma_wait3A_131 = arith.constant 0 : i32
    %dma_wait3A_132 = arith.constant 0 : i32
    %dma_wait3A_133 = tpu.memref_slice %arg6[%dma_wait3A_130, %dma_wait3A_131, %dma_wait3A_132] : memref<5x128x128xf32, #tpu.memory_space<vmem>> -> memref<1x128x128xf32, #tpu.memory_space<vmem>>
    %dma_wait3A_134 = tpu.memref_squeeze %dma_wait3A_133 : memref<1x128x128xf32, #tpu.memory_space<vmem>> -> memref<128x128xf32, #tpu.memory_space<vmem>>
    %dma_wait3A_135 = arith.constant 0 : i32
    %dma_wait3A_136 = arith.constant 0 : i32
    %dma_wait3A_137 = tpu.memref_slice %arg4[%add3A_129, %dma_wait3A_135, %dma_wait3A_136] : memref<25600x128x128xf32, #tpu.memory_space<hbm>> -> memref<1x128x128xf32, #tpu.memory_space<hbm>>
    %dma_wait3A_138 = tpu.memref_squeeze %dma_wait3A_137 : memref<1x128x128xf32, #tpu.memory_space<hbm>> -> memref<128x128xf32, #tpu.memory_space<hbm>>
    %dma_wait3A_139 = arith.constant 0 : i32
    %dma_wait3A_140 = arith.constant 0 : i32
    %dma_wait3A_141 = tpu.memref_slice %arg4[%add3A_129, %dma_wait3A_139, %dma_wait3A_140] : memref<25600x128x128xf32, #tpu.memory_space<hbm>> -> memref<1x128x128xf32, #tpu.memory_space<hbm>>
    %dma_wait3A_142 = tpu.memref_squeeze %dma_wait3A_141 : memref<1x128x128xf32, #tpu.memory_space<hbm>> -> memref<128x128xf32, #tpu.memory_space<hbm>>
    %dma_wait3A_143 = arith.constant 0 : i32
    %dma_wait3A_144 = arith.constant 0 : i32
    %dma_wait3A_145 = tpu.memref_slice %arg6[%dma_wait3A_130, %dma_wait3A_143, %dma_wait3A_144] : memref<5x128x128xf32, #tpu.memory_space<vmem>> -> memref<1x128x128xf32, #tpu.memory_space<vmem>>
    %dma_wait3A_146 = tpu.memref_squeeze %dma_wait3A_145 : memref<1x128x128xf32, #tpu.memory_space<vmem>> -> memref<128x128xf32, #tpu.memory_space<vmem>>
    tpu.wait_dma2 semaphore(%arg15 : memref<!tpu.dma_semaphore, #tpu.memory_space<semaphore_mem>>) src(%dma_wait3A_146 : memref<128x128xf32, #tpu.memory_space<vmem>>) dst(%dma_wait3A_142 : memref<128x128xf32, #tpu.memory_space<hbm>>)
    %add3A_147 = arith.constant 797 : i32
    %add3A_148 = arith.addi %mul3A_2, %add3A_147 : i32
    %dma_wait3A_149 = arith.constant 2 : i32
    %dma_wait3A_150 = arith.constant 0 : i32
    %dma_wait3A_151 = arith.constant 0 : i32
    %dma_wait3A_152 = tpu.memref_slice %arg6[%dma_wait3A_149, %dma_wait3A_150, %dma_wait3A_151] : memref<5x128x128xf32, #tpu.memory_space<vmem>> -> memref<1x128x128xf32, #tpu.memory_space<vmem>>
    %dma_wait3A_153 = tpu.memref_squeeze %dma_wait3A_152 : memref<1x128x128xf32, #tpu.memory_space<vmem>> -> memref<128x128xf32, #tpu.memory_space<vmem>>
    %dma_wait3A_154 = arith.constant 0 : i32
    %dma_wait3A_155 = arith.constant 0 : i32
    %dma_wait3A_156 = tpu.memref_slice %arg4[%add3A_148, %dma_wait3A_154, %dma_wait3A_155] : memref<25600x128x128xf32, #tpu.memory_space<hbm>> -> memref<1x128x128xf32, #tpu.memory_space<hbm>>
    %dma_wait3A_157 = tpu.memref_squeeze %dma_wait3A_156 : memref<1x128x128xf32, #tpu.memory_space<hbm>> -> memref<128x128xf32, #tpu.memory_space<hbm>>
    %dma_wait3A_158 = arith.constant 0 : i32
    %dma_wait3A_159 = arith.constant 0 : i32
    %dma_wait3A_160 = tpu.memref_slice %arg4[%add3A_148, %dma_wait3A_158, %dma_wait3A_159] : memref<25600x128x128xf32, #tpu.memory_space<hbm>> -> memref<1x128x128xf32, #tpu.memory_space<hbm>>
    %dma_wait3A_161 = tpu.memref_squeeze %dma_wait3A_160 : memref<1x128x128xf32, #tpu.memory_space<hbm>> -> memref<128x128xf32, #tpu.memory_space<hbm>>
    %dma_wait3A_162 = arith.constant 0 : i32
    %dma_wait3A_163 = arith.constant 0 : i32
    %dma_wait3A_164 = tpu.memref_slice %arg6[%dma_wait3A_149, %dma_wait3A_162, %dma_wait3A_163] : memref<5x128x128xf32, #tpu.memory_space<vmem>> -> memref<1x128x128xf32, #tpu.memory_space<vmem>>
    %dma_wait3A_165 = tpu.memref_squeeze %dma_wait3A_164 : memref<1x128x128xf32, #tpu.memory_space<vmem>> -> memref<128x128xf32, #tpu.memory_space<vmem>>
    tpu.wait_dma2 semaphore(%arg16 : memref<!tpu.dma_semaphore, #tpu.memory_space<semaphore_mem>>) src(%dma_wait3A_165 : memref<128x128xf32, #tpu.memory_space<vmem>>) dst(%dma_wait3A_161 : memref<128x128xf32, #tpu.memory_space<hbm>>)
    %add3A_166 = arith.constant 798 : i32
    %add3A_167 = arith.addi %mul3A_2, %add3A_166 : i32
    %dma_wait3A_168 = arith.constant 3 : i32
    %dma_wait3A_169 = arith.constant 0 : i32
    %dma_wait3A_170 = arith.constant 0 : i32
    %dma_wait3A_171 = tpu.memref_slice %arg6[%dma_wait3A_168, %dma_wait3A_169, %dma_wait3A_170] : memref<5x128x128xf32, #tpu.memory_space<vmem>> -> memref<1x128x128xf32, #tpu.memory_space<vmem>>
    %dma_wait3A_172 = tpu.memref_squeeze %dma_wait3A_171 : memref<1x128x128xf32, #tpu.memory_space<vmem>> -> memref<128x128xf32, #tpu.memory_space<vmem>>
    %dma_wait3A_173 = arith.constant 0 : i32
    %dma_wait3A_174 = arith.constant 0 : i32
    %dma_wait3A_175 = tpu.memref_slice %arg4[%add3A_167, %dma_wait3A_173, %dma_wait3A_174] : memref<25600x128x128xf32, #tpu.memory_space<hbm>> -> memref<1x128x128xf32, #tpu.memory_space<hbm>>
    %dma_wait3A_176 = tpu.memref_squeeze %dma_wait3A_175 : memref<1x128x128xf32, #tpu.memory_space<hbm>> -> memref<128x128xf32, #tpu.memory_space<hbm>>
    %dma_wait3A_177 = arith.constant 0 : i32
    %dma_wait3A_178 = arith.constant 0 : i32
    %dma_wait3A_179 = tpu.memref_slice %arg4[%add3A_167, %dma_wait3A_177, %dma_wait3A_178] : memref<25600x128x128xf32, #tpu.memory_space<hbm>> -> memref<1x128x128xf32, #tpu.memory_space<hbm>>
    %dma_wait3A_180 = tpu.memref_squeeze %dma_wait3A_179 : memref<1x128x128xf32, #tpu.memory_space<hbm>> -> memref<128x128xf32, #tpu.memory_space<hbm>>
    %dma_wait3A_181 = arith.constant 0 : i32
    %dma_wait3A_182 = arith.constant 0 : i32
    %dma_wait3A_183 = tpu.memref_slice %arg6[%dma_wait3A_168, %dma_wait3A_181, %dma_wait3A_182] : memref<5x128x128xf32, #tpu.memory_space<vmem>> -> memref<1x128x128xf32, #tpu.memory_space<vmem>>
    %dma_wait3A_184 = tpu.memref_squeeze %dma_wait3A_183 : memref<1x128x128xf32, #tpu.memory_space<vmem>> -> memref<128x128xf32, #tpu.memory_space<vmem>>
    tpu.wait_dma2 semaphore(%arg17 : memref<!tpu.dma_semaphore, #tpu.memory_space<semaphore_mem>>) src(%dma_wait3A_184 : memref<128x128xf32, #tpu.memory_space<vmem>>) dst(%dma_wait3A_180 : memref<128x128xf32, #tpu.memory_space<hbm>>)
    %add3A_185 = arith.constant 799 : i32
    %add3A_186 = arith.addi %mul3A_2, %add3A_185 : i32
    %dma_wait3A_187 = arith.constant 4 : i32
    %dma_wait3A_188 = arith.constant 0 : i32
    %dma_wait3A_189 = arith.constant 0 : i32
    %dma_wait3A_190 = tpu.memref_slice %arg6[%dma_wait3A_187, %dma_wait3A_188, %dma_wait3A_189] : memref<5x128x128xf32, #tpu.memory_space<vmem>> -> memref<1x128x128xf32, #tpu.memory_space<vmem>>
    %dma_wait3A_191 = tpu.memref_squeeze %dma_wait3A_190 : memref<1x128x128xf32, #tpu.memory_space<vmem>> -> memref<128x128xf32, #tpu.memory_space<vmem>>
    %dma_wait3A_192 = arith.constant 0 : i32
    %dma_wait3A_193 = arith.constant 0 : i32
    %dma_wait3A_194 = tpu.memref_slice %arg4[%add3A_186, %dma_wait3A_192, %dma_wait3A_193] : memref<25600x128x128xf32, #tpu.memory_space<hbm>> -> memref<1x128x128xf32, #tpu.memory_space<hbm>>
    %dma_wait3A_195 = tpu.memref_squeeze %dma_wait3A_194 : memref<1x128x128xf32, #tpu.memory_space<hbm>> -> memref<128x128xf32, #tpu.memory_space<hbm>>
    %dma_wait3A_196 = arith.constant 0 : i32
    %dma_wait3A_197 = arith.constant 0 : i32
    %dma_wait3A_198 = tpu.memref_slice %arg4[%add3A_186, %dma_wait3A_196, %dma_wait3A_197] : memref<25600x128x128xf32, #tpu.memory_space<hbm>> -> memref<1x128x128xf32, #tpu.memory_space<hbm>>
    %dma_wait3A_199 = tpu.memref_squeeze %dma_wait3A_198 : memref<1x128x128xf32, #tpu.memory_space<hbm>> -> memref<128x128xf32, #tpu.memory_space<hbm>>
    %dma_wait3A_200 = arith.constant 0 : i32
    %dma_wait3A_201 = arith.constant 0 : i32
    %dma_wait3A_202 = tpu.memref_slice %arg6[%dma_wait3A_187, %dma_wait3A_200, %dma_wait3A_201] : memref<5x128x128xf32, #tpu.memory_space<vmem>> -> memref<1x128x128xf32, #tpu.memory_space<vmem>>
    %dma_wait3A_203 = tpu.memref_squeeze %dma_wait3A_202 : memref<1x128x128xf32, #tpu.memory_space<vmem>> -> memref<128x128xf32, #tpu.memory_space<vmem>>
    tpu.wait_dma2 semaphore(%arg18 : memref<!tpu.dma_semaphore, #tpu.memory_space<semaphore_mem>>) src(%dma_wait3A_203 : memref<128x128xf32, #tpu.memory_space<vmem>>) dst(%dma_wait3A_199 : memref<128x128xf32, #tpu.memory_space<hbm>>)
    return
  }
}

</mosaic_0001>

<sc_bundles>
// kernel: _lookup.3.cloned.1.call-start
scs
__scs_entry_jumppad:
0x0: {  	(pc) =	sbr.rel $0x88, $3  }
0x1: {  	(tag) =	ssettag $0x0;
	lr =	simm.s32 $0x1  }
0x2: {  	[smem:$0x3F9F] =	sst lr;
	_ =	strace $0xD0000000  }
0x3: {  	_ = 	snop  }
0x4: {  	_ = 	snop  }
0x5: {  	_ = 	snop  }
0x6: {  	_ = 	snop  }
0x7: {  	_ = 	snop  }
__scs_overlays_trampoline_lowered:
0x8: {  	[smem:$0x3FAE] =	sst s0  }
0x9: {  	[smem:$0x3FAF] =	sst s1  }
0xa: {  	[smem:$0x3FB0] =	sst s2  }
0xb: {  	[smem:$0x3FB1] =	sst s3  }
0xc: {  	[smem:$0x3FB2] =	sst s4  }
0xd: {  	[smem:$0x3FB3] =	sst s5  }
0xe: {  	[smem:$0x3FB4] =	sst s6  }
0xf: {  	[smem:$0x3FB5] =	sst s7  }
0x10: {  	[smem:$0x3FB6] =	sst s8  }
0x11: {  	[smem:$0x3FB7] =	sst s9;
	s0 =	simm.s32 @!p0 $0x0  }
0x12: {  	s1 =	sld [smem:$0x3F9D];
	s0 =	simm.s32 @p0 $0x1  }
0x13: {  	[smem:$0x3FB8] =	sst s0;
	s0 =	simm.s32 @!p1 $0x0  }
0x14: {  	s2 =	sld [smem:$0x3F9C];
	s0 =	simm.s32 @p1 $0x1  }
0x15: {  	[smem:$0x3FB9] =	sst s0;
	s0 =	simm.s32 @!p2 $0x0  }
0x16: {  	s3 =	sld [smem:$0x3FDB];
	s0 =	simm.s32 @p2 $0x1  }
0x17: {  	s4 =	simm.s32 $0x1BF5;
	[smem:$0x3FBB] =	sst s0  }
0x18: {  	s0 =	sld [smem:$0x3F9E];
	_ =	swait.ge [sflag:s4], $0x0  }
0x19: {  	s7 =	sld [smem:$0x3F9F]  }
0x1a: {  	s8 =	sadd.s32 $0xFFFFE003, lr  }
0x1b: {  	s9 =	sadd.s32 $0xFFFFFEF7, lr;
	s5 =	simm.s32 $0xFFFFFFFF;
	p2 =	slt.u32 s8, $0xFFFFF086  }
0x1c: {  	p1 =	slt.u32 s9, $0xF7A;
	s5 =	simm.s32 @!p2 $0x0  }
0x1d: {  	s5 =	simm.s32 @p1 $0x1;
	p0 =	seq.s32 s7, s2  }
0x1e: {  	s7 =	smul.u32 @!p0 $0xF7A, s2;
	p2 =	seq.s32 @!p0 s5, $0x0  }
0x1f: {  	s9 =	smul.u32 $0xF7A, s1;
	s8 =	simm.s32 @!p0 $0x1BF5;
	p2 =	por !p2, p0  }
0x20: {  	[sflag:s8] =	ssyncset.s32 @!p0 $0xFFFFF086;
	s6 =	sadd.s32 @!p0 s3, s7;
	s7 =	simm.s32 @!p0 $0x108  }
0x21: {  	s3 =	sadd.s32 s3, s9;
	s6 =	sadd.s32 @!p0 $0x88, s6;
	s7 =	simm.s32 @p2 $0x1082  }
0x22: {  	[simem:s7], [sflag:s8] =	dma.local @!p0 [hbm:s6], $0xF7A  }
0x23: {  	s9 =	sor.u32 $0xD0000000, s2;
	s6 =	simm.s32 $0x108;
	_ =	swait.ge @!p0 [sflag:s8], $0x0  }
0x24: {  	s3 =	sadd.s32 $0x88, s3;
	s6 =	simm.s32 @!p1 $0x1082;
	[sflag:s4] =	ssyncset.s32 $0xFFFFF086  }
0x25: {  	[simem:s6], [sflag:s4] =	dma.local [hbm:s3], $0xF7A  }
0x26: {  	[smem:$0x3F9F] =	sst s1;
	(tag) =	ssettag s2;
	_ =	strace s9  }
0x27: {  	s1 =	sld [smem:$0x3FAF]  }
0x28: {  	s2 =	sld [smem:$0x3FB0]  }
0x29: {  	s4 =	sld [smem:$0x3FB2]  }
0x2a: {  	p0 =	seq.s32 s5, $0x0;
	s5 =	sld [smem:$0x3FB3]  }
0x2b: {  	s6 =	sld [smem:$0x3FB4]  }
0x2c: {  	s7 =	sld [smem:$0x3FB5]  }
0x2d: {  	s3 =	simm.s32 $0x108;
	s8 =	sld [smem:$0x3FB6]  }
0x2e: {  	s3 =	simm.s32 @!p0 $0x1082;
	s9 =	sld [smem:$0x3FB7]  }
0x2f: {  	lr =	sadd.s32 s0, s3;
	s0 =	sld [smem:$0x3FAE]  }
0x30: {  	s3 =	sld [smem:$0x3FB1]  }
0x31: {  	[smem:$0x3FBA] =	sst s10  }
0x32: {  	s10 =	sld [smem:$0x3FB8];
	_ =	sdelay $0x3  }
0x33: {  	p0 =	seq.s32 s10, $0x1;
	s10 =	sld [smem:$0x3FBA];
	_ =	sdelay $0x3  }
0x34: {  	[smem:$0x3FBA] =	sst s10  }
0x35: {  	s10 =	sld [smem:$0x3FB9];
	_ =	sdelay $0x3  }
0x36: {  	p1 =	seq.s32 s10, $0x1;
	s10 =	sld [smem:$0x3FBA];
	_ =	sdelay $0x3  }
0x37: {  	[smem:$0x3FBA] =	sst s10  }
0x38: {  	s10 =	sld [smem:$0x3FBB]  }
0x39: {  	_ = 	snop;
	(pc) =	sbr.ind lr, $3  }
0x3a: {  	_ = 	snop  }
0x3b: {  	_ = 	snop  }
0x3c: {  	p2 =	seq.s32 s10, $0x1;
	s10 =	sld [smem:$0x3FBA]  }
0x3d: {  	_ =	shalt  }
0x3e: {  	_ =	shalt  }
0x3f: {  	_ =	shalt  }
0x40: {  	_ =	shalt  }
0x41: {  	_ =	shalt  }
0x42: {  	_ =	shalt  }
0x43: {  	_ =	shalt  }
0x44: {  	_ =	shalt  }
0x45: {  	_ =	shalt  }
0x46: {  	_ =	shalt  }
0x47: {  	_ =	shalt  }
0x48: {  	_ =	shalt  }
0x49: {  	_ =	shalt  }
0x4a: {  	_ =	shalt  }
0x4b: {  	_ =	shalt  }
0x4c: {  	_ =	shalt  }
0x4d: {  	_ =	shalt  }
0x4e: {  	_ =	shalt  }
0x4f: {  	_ =	shalt  }
0x50: {  	_ =	shalt  }
0x51: {  	_ =	shalt  }
0x52: {  	_ =	shalt  }
0x53: {  	_ =	shalt  }
0x54: {  	_ =	shalt  }
0x55: {  	_ =	shalt  }
0x56: {  	_ =	shalt  }
0x57: {  	_ =	shalt  }
0x58: {  	_ =	shalt  }
0x59: {  	_ =	shalt  }
0x5a: {  	_ =	shalt  }
0x5b: {  	_ =	shalt  }
0x5c: {  	_ =	shalt  }
0x5d: {  	_ =	shalt  }
0x5e: {  	_ =	shalt  }
0x5f: {  	_ =	shalt  }
0x60: {  	_ =	shalt  }
0x61: {  	_ =	shalt  }
0x62: {  	_ =	shalt  }
0x63: {  	_ =	shalt  }
0x64: {  	_ =	shalt  }
0x65: {  	_ =	shalt  }
0x66: {  	_ =	shalt  }
0x67: {  	_ =	shalt  }
0x68: {  	_ =	shalt  }
0x69: {  	_ =	shalt  }
0x6a: {  	_ =	shalt  }
0x6b: {  	_ =	shalt  }
0x6c: {  	_ =	shalt  }
0x6d: {  	_ =	shalt  }
0x6e: {  	_ =	shalt  }
0x6f: {  	_ =	shalt  }
0x70: {  	_ =	shalt  }
0x71: {  	_ =	shalt  }
0x72: {  	_ =	shalt  }
0x73: {  	_ =	shalt  }
0x74: {  	_ =	shalt  }
0x75: {  	_ =	shalt  }
0x76: {  	_ =	shalt  }
0x77: {  	_ =	shalt  }
0x78: {  	_ =	shalt  }
0x79: {  	_ =	shalt  }
0x7a: {  	_ =	shalt  }
0x7b: {  	_ =	shalt  }
0x7c: {  	_ =	shalt  }
0x7d: {  	_ =	shalt  }
0x7e: {  	_ =	shalt  }
0x7f: {  	_ =	shalt  }
0x80: {  	_ =	shalt  }
0x81: {  	_ =	shalt  }
0x82: {  	_ =	shalt  }
0x83: {  	_ =	shalt  }
0x84: {  	_ =	shalt  }
0x85: {  	_ =	shalt  }
0x86: {  	_ =	shalt  }
0x87: {  	_ =	shalt  }
.Lfunc_end0:
.L_simem_size_0:
called_computation_lowered:
.L_overlay_start_0:
0x88: {  	s2 =	sld [smem:$0x3FD9]  }
0x89: {  	s3 =	sld [smem:$0x3FFE];
	_ =	sdelay $0x1  }
0x8a: {  	s1 =	srdreg.scid  }
0x8b: {  	s0 =	sand.u32 $0x1, s1  }
0x8c: {  	s18 =	sshll.u32 s0, $0xA;
	s2 =	sadd.s32 s3, s2  }
0x8d: {  	s2 =	sadd.s32 s2, s18  }
0x8e: {  	[smem:$0x3FC6] =	sst s2  }
0x8f: {  	_ = 	snop  }
0x90: {  	s2 =	sld [smem:$0x3FC9]  }
0x91: {  	s19 =	sld [smem:$0x3FC8]  }
0x92: {  	s4 =	sld [smem:$0x3FD0];
	(tm) =	ssettm $0x1  }
0x93: {  	s5 =	sld [smem:$0x3FFB];
	_ =	sdelay $0x3  }
0x94: {  	_ =	strace s5  }
0x95: {  	s5 =	sld [smem:$0x3FFC];
	_ =	sdelay $0x3  }
0x96: {  	_ =	strace s5  }
0x97: {  	s5 =	sld [smem:$0x3FFD];
	_ =	sdelay $0x3  }
0x98: {  	_ =	strace s5  }
0x99: {  	_ =	strace $0x8FFFFFFF  }
0x9a: {  	s20 =	sld [smem:$0x3FDB];
	_ =	sdelay $0x1  }
0x9b: {  	s6 =	simm.s32 $_scs_section_size  }
0x9c: {  	s7 =	simm.s32 $_size__tile_overlayer_lowered;
	s8 =	simm.s32 $_tile_overlayer_lowered  }
0x9d: {  	s23 =	simm.s32 $0x1BFF;
	s22 =	sshll.u32 s8, $0x1;
	s5 =	sadd.s32 s6, s20  }
0x9e: {  	s9 =	simm.s32 $0x0;
	s21 =	sshll.u32 s7, $0x1;
	s7 =	sadd.s32 s22, s5  }
0x9f: {  	[timem:s9], [sflag:s23] =	dma.local [hbm:s7], s21  }
0xa0: {  	_ =	swait.ge [sflag:s23], s21  }
0xa1: {  	s6 =	ssub.s32 $0x0, s21;
	[sflag:s23] =	ssyncset.done $0x0  }
0xa2: {  	[sflag:s23] =	ssyncadd.s32 s6;
	_ =	sdelay $0x1  }
0xa3: {  	s24 =	simm.s32 $0x1B8B  }
0xa4: {  	_ =	swait.ge [sflag:s24], $0x1  }
0xa5: {  	[sflag:s24] =	ssyncset.done $0x0  }
0xa6: {  	s25 =	simm.s32 $0x1B8E;
	[sflag:s24] =	ssyncadd.s32 $0xFFFFFFFF  }
0xa7: {  	s26 =	simm.s32 $execute0_lowered;
	[smem:$0x3FD2] =	sst s25  }
0xa8: {  	s6 =	sshll.u32 s26, $0x1;
	_ =	strace $0x80000046;
	[dreg:$0x1] =	wrdreg $0xFFFFFFFF  }
0xa9: {  	s28 =	simm.s32 $_size_execute0_lowered;
	s5 =	sadd.s32 s5, s6;
	[dreg:$0x0] =	wrdreg $0x0  }
0xaa: {  	s6 =	sshll.u32 s28, $0x1;
	[dreg:$0x2] =	wrdreg s5  }
0xab: {  	[dreg:$0x3] =	wrdreg s6  }
0xac: {  	[dreg:$0x4] =	wrdreg $0xC0  }
0xad: {  	_ =	task [dreg:s9], $0x5FFFF  }
0xae: {  	[dreg:$0x1] =	wrdreg $0xFFFFFFFF  }
0xaf: {  	[dreg:$0x0] =	wrdreg $0x60  }
0xb0: {  	[dreg:$0x2] =	wrdreg s2  }
0xb1: {  	[dreg:$0x3] =	wrdreg s19  }
0xb2: {  	[dreg:$0x4] =	wrdreg s4  }
0xb3: {  	[dreg:$0x5] =	wrdreg $0x190000  }
0xb4: {  	[dreg:$0x6] =	wrdreg $0x9  }
0xb5: {  	_ =	task.clear_ibuf [dreg:s9], $0x7FFFF;
	_ =	strace $0x90000046  }
0xb6: {  	s29 =	simm.s32 $0x9;
	_ =	strace $0x80000048  }
0xb7: {  	_ =	swait.ge [sflag:s29], $0x1  }
0xb8: {  	[sflag:s29] =	ssyncadd.s32 $0xFFFFFFFF  }
0xb9: {  	_ =	strace $0x90000048  }
0xba: {  	_ =	sfence  }
0xbb: {  	s30 =	sld [smem:$0x0];
	_ =	sdelay $0x2  }
0xbc: {  	s31 =	sshll.u32 s1, $0xD;
	s1 =	sshrl.u32 s1, $0x2  }
0xbd: {  	s3 =	sand.u32 $0x4000, s31;
	s1 =	sadd.s32 s1, s30  }
0xbe: {  	s0 =	sor.u32 s3, s0;
	s1 =	sshll.u32 s1, $0x11  }
0xbf: {  	s0 =	sor.u32 s1, s0  }
0xc0: {  	s0 =	sadd.s32 $0x8F2B, s0  }
0xc1: {  	[sflag:s0] =	ssyncadd.remote.s32 $0x1  }
0xc2: {  	_ =	sfence.sel $0xFFFF  }
0xc3: {  	[dreg:$0x0] =	wrdreg $0xFFFFFFFF;
	(pc) =	sbr.abs _section_cstart, $3  }
0xc4: {  	[dreg:$0x1] =	wrdreg $0xFFFFFFFF  }
0xc5: {  	_ =	task.clear_ibuf [dreg:s9], $0x2FFFF;
	_ =	strace $0x9FFFFFFF  }
0xc6: {  	(tm) =	ssettm $0x7FFFFFFF  }
0xc7: {  	_ =	shalt  }
tec
execute0_lowered:
.L_overlay_start_1:
0x0: {  	(tag) =	ssettag $0x1  }
0x1: {  	s1 =	srdreg.scid;
	s0 =	rddreg [dreg:$0x0]  }
0x2: {  	s2 =	stileid.u32;
	s5 =	rddreg [dreg:$0x3];
	s6 =	simm.s32 $0x0  }
0x3: {  	s15 =	simm.s32 $0x80;
	s17 =	simm.s32 $0x9000;
	s19 =	simm.s32 $0xD000  }
0x4: {  	s20 =	simm.s32 $0x2;
	s21 =	simm.s32 $0x11000;
	s22 =	simm.s32 $0x3  }
0x5: {  	s23 =	simm.s32 $0x15000;
	s24 =	simm.s32 $0x4;
	s9 =	smul.u32 $0x640, s2  }
0x6: {  	s25 =	simm.s32 $0x5;
	s1 =	sand.u32 $0x1, s1;
	s12 =	smul.u32 $0x320000, s2  }
0x7: {  	s26 =	simm.s32 $0x6;
	s3 =	sshll.u32 s2, $0x1;
	s11 =	smul.u32 $0x320, s1  }
0x8: {  	s3 =	sor.u32 s1, s3;
	s8 =	ssub.s32 $0x2, s1;
	s1 =	smul.u32 $0x190000, s1  }
0x9: {  	[smem:$0x7FF] =	sst s6;
	p0 =	sne.s32 s2, $0x0;
	s4 =	smul.u32 $0x320, s3  }
0xa: {  	_ =	strace $0x80000047;
	s7 =	smul.u32 $0x3200, s3;
	s10 =	sshrl.u32 s8, $0x1  }
0xb: {  	s3 =	smul.u32 $0x19000, s3;
	s8 =	ssub.s32 s8, s10;
	s31 =	sadd.s32 s11, s9  }
0xc: {  	s11 =	sadd.s32 s1, s12;
	s1 =	simm.s32 @!p0 $0x0;
	s7 =	sadd.s32 s0, s7  }
.Ltmp0:
0xd: {  	s29 =	smax.u32 s8, $0x1;
	[dreg:$0x5] =	wrdreg s7;
	(pc) =	sbr.rel .LBB2_1-.Ltmp0, $4  }
0xe: {  	s3 =	sshrl.u32 s3, $0x3;
	s1 =	simm.s32 @p0 $0x1;
	[dreg:$0x7] =	wrdreg s29  }
0xf: {  	s3 =	sadd.s32 s0, s3;
	[smem:$0x7FD] =	sst s1;
	s1 =	sshrl.u32 @!p0 s5, $0x3  }
0x10: {  	s30 =	simm.s32 $0x9;
	s3 =	sadd.s32 $0x500, s3;
	[dreg:$0x8] =	wrdreg s1  }
0x11: {  	s10 =	sshll.u32 s31, $0xB;
	[dreg:$0x6] =	wrdreg s3;
	s3 =	simm.s32 $0x0  }
.LBB2_4:
0x12: {  	s1 =	simm.s32 $0x7  }
0x13: {  	_ =	swait.ge [sflag:s1], $0x4000  }
0x14: {  	[sflag:s1] =	ssyncset.done $0x0  }
0x15: {  	s28 =	simm.s32 $0x8;
	[sflag:s1] =	ssyncadd.s32 $0xFFFFC000  }
0x16: {  	_ =	swait.ge [sflag:s28], $0x4000  }
0x17: {  	[sflag:s28] =	ssyncset.done $0x0  }
0x18: {  	[sflag:s28] =	ssyncadd.s32 $0xFFFFC000  }
0x19: {  	_ =	swait.ge [sflag:s30], $0x4000  }
0x1a: {  	[sflag:s30] =	ssyncset.done $0x0  }
0x1b: {  	s29 =	simm.s32 $0xA;
	[sflag:s30] =	ssyncadd.s32 $0xFFFFC000  }
0x1c: {  	_ =	swait.ge [sflag:s29], $0x4000  }
0x1d: {  	[sflag:s29] =	ssyncset.done $0x0  }
0x1e: {  	s2 =	simm.s32 $0xB;
	[sflag:s29] =	ssyncadd.s32 $0xFFFFC000  }
0x1f: {  	_ =	swait.ge [sflag:s2], $0x4000  }
0x20: {  	s3 =	rddreg [dreg:$0x9]  }
0x21: {  	s31 =	rddreg [dreg:$0x7];
	s3 =	sadd.s32 $0x1, s3  }
0x22: {  	p0 =	sne.s32 s3, s31  }
.Ltmp1:
0x23: {  	_ = 	snop;
	(pc) =	sbr.rel @!p0 .LBB2_5-.Ltmp1, $3  }
0x24: {  	_ =	sdelay $0x1  }
0x25: {  	[sflag:s2] =	ssyncset.done $0x0  }
0x26: {  	[sflag:s2] =	ssyncadd.s32 $0xFFFFC000  }
.LBB2_1:
0x27: {  	s1 =	sld [smem:$0x7FD];
	_ =	sdelay $0x1  }
0x28: {  	[dreg:$0x9] =	wrdreg s3  }
0x29: {  	s2 =	rddreg [dreg:$0x8];
	p0 =	seq.s32 s1, $0x1  }
0x2a: {  	s1 =	rddreg [dreg:$0x1];
	s3 =	simm.s32 @!p0 $0x1C0C  }
0x2b: {  	[spmem:s2], [sflag:s3] =	dma.local @!p0 [hbm:s1], $0x640  }
0x2c: {  	s3 =	simm.s32 @!p0 $0xC  }
0x2d: {  	_ =	swait.ge @!p0 [sflag:s3], $0x640  }
0x2e: {  	[sflag:s3] =	ssyncset.done @!p0 $0x0  }
0x2f: {  	[sflag:s3] =	ssyncadd.s32 @!p0 $0xFFFFF9C0  }
0x30: {  	[bflag:$0x0] =	sbarrier.arrive $0xFFFF  }
0x31: {  	s16 =	simm.s32 $0x1;
	s14 =	rddreg [dreg:$0x5]  }
0x32: {  	[tilespmem:s6], [sflag:$0x1] =	stream.linear.gather [hbm4b:s14+s6], $0x2800, $0x38;
	[tilespmem:$0x19320] =	vst v63  }
0x33: {  	_ =	swait.ge [sflag:s16], $0x2800  }
0x34: {  	[sflag:s16] =	ssyncset.done $0x0  }
0x35: {  	s28 =	simm.s32 $0x2800;
	s18 =	rddreg [dreg:$0x6];
	[sflag:s16] =	ssyncadd.s32 $0xFFFFD800  }
0x36: {  	[tilespmem:s28], [sflag:$0x1] =	stream.linear.gather [hbm4b:s18+s6], $0x2800, $0x38;
	[tilespmem:$0x19320] =	vst v63  }
0x37: {  	s29 =	simm.s32 $0x5000  }
0x38: {  	[tilespmem:s29], [sflag:$0x2] =	stream.indirect.gather [spmem:s5], $0x80, s6, s15, $0xb8;
	[tilespmem:$0x19320] =	vst v63  }
0x39: {  	s31 =	simm.s32 $0x100  }
0x3a: {  	[tilespmem:s17], [sflag:$0x3] =	stream.indirect.gather [spmem:s5], $0x80, s15, s15, $0xb8;
	[tilespmem:$0x19320] =	vst v63  }
0x3b: {  	s14 =	simm.s32 $0x0;
	s3 =	rddreg [dreg:$0x2];
	s18 =	simm.s32 $0x0  }
0x3c: {  	[tilespmem:s19], [sflag:$0x4] =	stream.indirect.gather [spmem:s5], $0x80, s31, s15, $0xb8;
	[tilespmem:$0x19320] =	vst v63  }
.LBB2_2:
0x3d: {  	_ =	swait.ge [sflag:s20], $0x4000;
	s7 =	sadd.s32 $0x3, s18  }
0x3e: {  	s8 =	sadd.s32 s3, s11;
	s28 =	smul.u32 $0xCCCD, s18;
	[sflag:s20] =	ssyncset.done $0x0  }
0x3f: {  	s1 =	simm.s32 $0x5000;
	s9 =	smul.u32 $0xCCCD, s7;
	[sflag:s20] =	ssyncadd.s32 $0xFFFFC000  }
0x40: {  	[hbm4b:s8+s6] =	stream.linear.scatter [tilespmem:s1], [sflag:$0x7], $0x4000, $0x38;
	[tilespmem:$0x19320] =	vst v63  }
0x41: {  	p2 =	seq.s32 s18, $0x0;
	s13 =	sshrl.u32 s9, $0x16  }
0x42: {  	s12 =	simm.s32 @!p2 $0xA;
	s8 =	sshrl.u32 s28, $0x16;
	s9 =	smul.u32 $0x50, s13  }
0x43: {  	_ =	swait.ge @!p2 [sflag:s12], $0x4000;
	s8 =	smul.u32 $0x50, s8  }
0x44: {  	p1 =	sgt.u32 s14, $0x7F;
	s29 =	sand.u32 $0x1, s13;
	[sflag:s12] =	ssyncset.done @!p2 $0x0  }
0x45: {  	p6 =	seq.s32 s29, $0x1;
	s7 =	ssub.s32 s7, s9;
	s8 =	ssub.s32 s18, s8  }
0x46: {  	[sflag:s12] =	ssyncadd.s32 @!p2 $0xFFFFC000;
	s9 =	sand.u32 $0xFFFF, s7;
	s8 =	sand.u32 @!p1 $0xFFFF, s8  }
0x47: {  	s31 =	sshll.u32 s7, $0x7;
	p5 =	sne.s32 s9, $0x0;
	p4 =	sne.s32 @!p1 s8, $0x4F  }
0x48: {  	s8 =	simm.s32 $0x2800;
	s9 =	simm.s32 @!p5 $0x1;
	p3 =	por p4, p1  }
0x49: {  	s12 =	sand.u32 $0x3F80, s31;
	_ =	swait.ge @!p5 [sflag:s9], $0x2800;
	s28 =	sadd.s32 @!p3 $0x1, s18  }
0x4a: {  	s8 =	simm.s32 @!p6 $0x0;
	[sflag:s9] =	ssyncset.done @!p5 $0x0;
	s28 =	sand.u32 @!p3 $0xFFFF, s28  }
0x4b: {  	s8 =	sadd.s32 s12, s8;
	[sflag:s9] =	ssyncadd.s32 @!p5 $0xFFFFD800;
	s9 =	smul.u32 @!p3 $0xCCCD, s28  }
0x4c: {  	[tilespmem:s21], [sflag:$0x5] =	stream.indirect.gather [spmem:s5], $0x80, s8, s15, $0xb8;
	[tilespmem:$0x19320] =	vst v63  }
0x4d: {  	s8 =	sshrl.u32 @!p3 s9, $0x16  }
0x4e: {  	s8 =	sadd.s32 @!p3 $0x1, s8  }
0x4f: {  	s1 =	sadd.s32 $0x4, s18;
	s9 =	smul.u32 @!p3 $0x50, s8  }
0x50: {  	s29 =	smul.u32 $0xCCCD, s1;
	s8 =	sand.u32 @!p3 $0x1, s8  }
0x51: {  	s12 =	simm.s32 @!p3 $0x0;
	p5 =	seq.s32 @!p3 s8, $0x1;
	s8 =	sand.u32 @!p3 $0xFFF0, s9  }
0x52: {  	s28 =	sshrl.u32 s29, $0x16;
	p4 =	por @!p1 !p5, p4;
	s8 =	sadd.s32 @!p3 s8, s4  }
0x53: {  	s9 =	simm.s32 @!p3 $0x2800;
	p4 =	por !p4, p1;
	s8 =	sshll.u32 @!p3 s8, $0x4  }
0x54: {  	s31 =	smul.u32 $0x50, s28;
	s9 =	simm.s32 @!p4 $0x0;
	s8 =	sadd.s32 @!p3 s0, s8  }
0x55: {  	[tilespmem:s9], [sflag:$0x1] =	stream.linear.gather @!p3 [hbm4b:s8+s12], $0x2800, $0x38;
	[tilespmem:$0x19320] =	vst v63  }
0x56: {  	s12 =	sadd.s32 $0x1, s18  }
0x57: {  	s9 =	sadd.s32 s3, s10;
	s8 =	ssub.s32 s1, s31;
	s16 =	smul.u32 $0xCCCD, s12  }
0x58: {  	s1 =	sand.u32 $0x1, s28;
	_ =	swait.ge [sflag:s22], $0x4000;
	s2 =	sadd.s32 $0x800, s9  }
0x59: {  	s31 =	sand.u32 $0xFFFF, s8;
	[sflag:s22] =	ssyncset.done $0x0;
	s29 =	sshrl.u32 s16, $0x16  }
0x5a: {  	p5 =	seq.s32 s1, $0x1;
	[sflag:s22] =	ssyncadd.s32 $0xFFFFC000;
	s29 =	smul.u32 $0x50, s29  }
0x5b: {  	[hbm4b:s2+s6] =	stream.linear.scatter [tilespmem:s17], [sflag:$0x8], $0x4000, $0x38;
	[tilespmem:$0x19320] =	vst v63  }
0x5c: {  	p4 =	sne.s32 s31, $0x0;
	s2 =	simm.s32 @!p2 $0xB;
	s12 =	ssub.s32 s12, s29  }
0x5d: {  	s16 =	sshll.u32 s8, $0x7;
	_ =	swait.ge @!p2 [sflag:s2], $0x4000;
	s12 =	sand.u32 @!p1 $0xFFFF, s12  }
0x5e: {  	[sflag:s2] =	ssyncset.done @!p2 $0x0;
	s29 =	sand.u32 $0x3F80, s16;
	p3 =	sne.s32 @!p1 s12, $0x4F  }
0x5f: {  	[sflag:s2] =	ssyncadd.s32 @!p2 $0xFFFFC000;
	s2 =	simm.s32 @!p4 $0x1;
	p2 =	por p3, p1  }
0x60: {  	_ =	swait.ge @!p4 [sflag:s2], $0x2800;
	s12 =	simm.s32 $0x2800;
	s31 =	sadd.s32 @!p2 $0x2, s18  }
0x61: {  	[sflag:s2] =	ssyncset.done @!p4 $0x0;
	s12 =	simm.s32 @!p5 $0x0;
	s31 =	sand.u32 @!p2 $0xFFFF, s31  }
0x62: {  	[sflag:s2] =	ssyncadd.s32 @!p4 $0xFFFFD800;
	s1 =	sadd.s32 s29, s12;
	s12 =	smul.u32 @!p2 $0xCCCD, s31  }
0x63: {  	[tilespmem:s23], [sflag:$0x6] =	stream.indirect.gather [spmem:s5], $0x80, s1, s15, $0xb8;
	[tilespmem:$0x19320] =	vst v63  }
0x64: {  	s2 =	sshrl.u32 @!p2 s12, $0x16  }
0x65: {  	s2 =	sadd.s32 @!p2 $0x1, s2  }
0x66: {  	s12 =	smul.u32 @!p2 $0x50, s2  }
0x67: {  	s2 =	sand.u32 @!p2 $0x1, s2  }
0x68: {  	p4 =	seq.s32 @!p2 s2, $0x1;
	s2 =	sand.u32 @!p2 $0xFFF0, s12  }
0x69: {  	p3 =	por @!p1 !p4, p3;
	s2 =	sadd.s32 @!p2 s2, s4  }
0x6a: {  	s12 =	simm.s32 @!p2 $0x2800;
	p3 =	por !p3, p1;
	s2 =	sshll.u32 @!p2 s2, $0x4  }
0x6b: {  	s29 =	simm.s32 @!p2 $0x0;
	s12 =	simm.s32 @!p3 $0x0;
	s2 =	sadd.s32 @!p2 s0, s2  }
0x6c: {  	[tilespmem:s12], [sflag:$0x1] =	stream.linear.gather @!p2 [hbm4b:s2+s29], $0x2800, $0x38;
	[tilespmem:$0x19320] =	vst v63  }
0x6d: {  	s12 =	sadd.s32 $0x5, s18;
	p2 =	seq.s32 s18, $0x31B  }
0x6e: {  	s2 =	smul.u32 @!p2 $0xCCCD, s12  }
0x6f: {  	_ =	swait.ge [sflag:s24], $0x4000  }
0x70: {  	[sflag:s24] =	ssyncset.done $0x0;
	s2 =	sshrl.u32 @!p2 s2, $0x16  }
0x71: {  	s16 =	sadd.s32 $0x1000, s9;
	[sflag:s24] =	ssyncadd.s32 $0xFFFFC000;
	s31 =	smul.u32 @!p2 $0x50, s2  }
0x72: {  	[hbm4b:s16+s6] =	stream.linear.scatter [tilespmem:s19], [sflag:$0x9], $0x4000, $0x38;
	[tilespmem:$0x19320] =	vst v63  }
0x73: {  	s29 =	ssub.s32 @!p2 s12, s31  }
0x74: {  	s31 =	simm.s32 @!p2 $0x7;
	s1 =	sand.u32 @!p2 $0xFFFF, s29  }
0x75: {  	s2 =	sand.u32 @!p2 $0x1, s2;
	_ =	swait.ge @!p2 [sflag:s31], $0x4000;
	p3 =	sne.s32 @!p2 s1, $0x0  }
0x76: {  	p4 =	seq.s32 @!p2 s2, $0x1;
	[sflag:s31] =	ssyncset.done @!p2 $0x0;
	p3 =	por p3, p2  }
0x77: {  	s2 =	simm.s32 @!p2 $0x2800;
	[sflag:s31] =	ssyncadd.s32 @!p2 $0xFFFFC000;
	s1 =	simm.s32 @!p3 $0x1  }
0x78: {  	p4 =	por !p4, p2;
	s29 =	sshll.u32 @!p2 s29, $0x7;
	_ =	swait.ge @!p3 [sflag:s1], $0x2800  }
0x79: {  	s2 =	simm.s32 @p4 $0x0;
	s31 =	sadd.s32 $0x2, s18;
	[sflag:s1] =	ssyncset.done @!p3 $0x0  }
0x7a: {  	s29 =	sand.u32 @!p2 $0x3F80, s29;
	s16 =	smul.u32 @!p2 $0xCCCD, s31;
	[sflag:s1] =	ssyncadd.s32 @!p3 $0xFFFFD800  }
0x7b: {  	s1 =	sadd.s32 @!p2 s29, s2;
	s2 =	simm.s32 @!p2 $0x80;
	s29 =	simm.s32 @!p2 $0x5000  }
0x7c: {  	[tilespmem:s29], [sflag:$0x2] =	stream.indirect.gather @!p2 [spmem:s5], $0x80, s1, s2, $0xb8;
	[tilespmem:$0x19320] =	vst v63  }
0x7d: {  	s1 =	sshrl.u32 @!p2 s16, $0x16  }
0x7e: {  	s1 =	smul.u32 @!p2 $0x50, s1  }
0x7f: {  	p3 =	sgt.u32 @!p2 s14, $0x7F  }
0x80: {  	p4 =	por p3, p2;
	s1 =	ssub.s32 @!p2 s31, s1  }
0x81: {  	s1 =	sand.u32 @!p4 $0xFFFF, s1  }
0x82: {  	p6 =	sne.s32 @!p4 s1, $0x4F  }
0x83: {  	p5 =	por @!p2 p6, p3  }
0x84: {  	p5 =	por p5, p2  }
0x85: {  	s1 =	sadd.s32 @!p5 $0x1, s13  }
0x86: {  	s13 =	sand.u32 @!p5 $0x1, s1;
	s1 =	smul.u32 @!p5 $0x50, s1  }
0x87: {  	p0 =	seq.s32 @!p5 s13, $0x1  }
0x88: {  	p0 =	por @!p4 !p0, p6;
	s1 =	sand.u32 @!p5 $0xFFF0, s1  }
0x89: {  	p0 =	por @!p2 !p0, p3;
	s1 =	sadd.s32 @!p5 s1, s4  }
0x8a: {  	s13 =	simm.s32 @!p5 $0x2800;
	p0 =	por !p0, p2;
	s1 =	sshll.u32 @!p5 s1, $0x4  }
0x8b: {  	s16 =	simm.s32 @!p5 $0x0;
	s13 =	simm.s32 @p0 $0x0;
	s1 =	sadd.s32 @!p5 s0, s1  }
0x8c: {  	[tilespmem:s13], [sflag:$0x1] =	stream.linear.gather @!p5 [hbm4b:s1+s16], $0x2800, $0x38;
	[tilespmem:$0x19320] =	vst v63  }
0x8d: {  	s1 =	sadd.s32 @!p2 $0x6, s18  }
0x8e: {  	s13 =	sand.u32 @!p2 $0xFFFF, s1  }
0x8f: {  	s13 =	smul.u32 @!p2 $0xCCCD, s13  }
0x90: {  	_ =	swait.ge [sflag:s25], $0x4000  }
0x91: {  	[sflag:s25] =	ssyncset.done $0x0;
	s13 =	sshrl.u32 @!p2 s13, $0x16  }
0x92: {  	s31 =	sadd.s32 $0x1800, s9;
	[sflag:s25] =	ssyncadd.s32 $0xFFFFC000;
	s29 =	smul.u32 @!p2 $0x50, s13  }
0x93: {  	[hbm4b:s31+s6] =	stream.linear.scatter [tilespmem:s21], [sflag:$0xA], $0x4000, $0x38;
	[tilespmem:$0x19320] =	vst v63  }
0x94: {  	s1 =	ssub.s32 @!p2 s1, s29  }
0x95: {  	s16 =	simm.s32 @!p2 $0x8;
	s29 =	sand.u32 @!p2 $0xFFFF, s1  }
0x96: {  	_ =	swait.ge @!p2 [sflag:s16], $0x4000;
	s13 =	sand.u32 @!p2 $0x1, s13;
	p0 =	sne.s32 @!p2 s29, $0x0  }
0x97: {  	[sflag:s16] =	ssyncset.done @!p2 $0x0;
	p5 =	seq.s32 @!p2 s13, $0x1;
	p0 =	por p0, p2  }
0x98: {  	[sflag:s16] =	ssyncadd.s32 @!p2 $0xFFFFC000;
	s16 =	simm.s32 @!p2 $0x2800;
	s13 =	simm.s32 @!p0 $0x1  }
0x99: {  	p5 =	por !p5, p2;
	s1 =	sshll.u32 @!p2 s1, $0x7;
	_ =	swait.ge @!p0 [sflag:s13], $0x2800  }
0x9a: {  	s16 =	simm.s32 @p5 $0x0;
	s1 =	sand.u32 @!p2 $0x3F80, s1;
	[sflag:s13] =	ssyncset.done @!p0 $0x0  }
0x9b: {  	s1 =	sadd.s32 @!p2 s1, s16;
	[sflag:s13] =	ssyncadd.s32 @!p0 $0xFFFFD800;
	s13 =	simm.s32 @!p2 $0x9000  }
0x9c: {  	[tilespmem:s13], [sflag:$0x3] =	stream.indirect.gather @!p2 [spmem:s5], $0x80, s1, s2, $0xb8;
	[tilespmem:$0x19320] =	vst v63  }
0x9d: {  	s1 =	sand.u32 @!p4 $0xFFFF, s7  }
0x9e: {  	p0 =	sne.s32 @!p4 s1, $0x4F  }
0x9f: {  	p5 =	por @!p2 p0, p3  }
0xa0: {  	p5 =	por p5, p2  }
0xa1: {  	s1 =	sadd.s32 @!p5 $0x1, s28  }
0xa2: {  	s2 =	sand.u32 @!p5 $0x1, s1;
	s1 =	smul.u32 @!p5 $0x50, s1  }
0xa3: {  	p6 =	seq.s32 @!p5 s2, $0x1  }
0xa4: {  	p0 =	por @!p4 !p6, p0;
	s1 =	sand.u32 @!p5 $0xFFF0, s1  }
0xa5: {  	p0 =	por @!p2 !p0, p3;
	s1 =	sadd.s32 @!p5 s1, s4  }
0xa6: {  	s2 =	simm.s32 @!p5 $0x2800;
	p0 =	por !p0, p2;
	s1 =	sshll.u32 @!p5 s1, $0x4  }
0xa7: {  	s7 =	simm.s32 @!p5 $0x0;
	s2 =	simm.s32 @p0 $0x0;
	s1 =	sadd.s32 @!p5 s0, s1  }
0xa8: {  	[tilespmem:s2], [sflag:$0x1] =	stream.linear.gather @!p5 [hbm4b:s1+s7], $0x2800, $0x38;
	[tilespmem:$0x19320] =	vst v63  }
.Ltmp2:
0xa9: {  	_ = 	snop;
	(pc) =	sbr.rel @p2 .LBB2_4-.Ltmp2, $4  }
0xaa: {  	_ =	swait.ge [sflag:s26], $0x4000  }
0xab: {  	[sflag:s26] =	ssyncset.done $0x0  }
0xac: {  	s31 =	sadd.s32 $0x2000, s9;
	[sflag:s26] =	ssyncadd.s32 $0xFFFFC000  }
0xad: {  	[hbm4b:s31+s6] =	stream.linear.scatter [tilespmem:s23], [sflag:$0xB], $0x4000, $0x38;
	[tilespmem:$0x19320] =	vst v63  }
0xae: {  	s1 =	sadd.s32 $0x7, s18  }
0xaf: {  	s2 =	sand.u32 $0xFFFF, s1  }
0xb0: {  	s2 =	smul.u32 $0xCCCD, s2;
	_ =	sdelay $0x1  }
0xb1: {  	s2 =	sshrl.u32 s2, $0x16  }
0xb2: {  	s7 =	smul.u32 $0x50, s2  }
0xb3: {  	_ =	swait.ge [sflag:s30], $0x4000  }
0xb4: {  	[sflag:s30] =	ssyncset.done $0x0;
	s1 =	ssub.s32 s1, s7  }
0xb5: {  	[sflag:s30] =	ssyncadd.s32 $0xFFFFC000;
	s2 =	sand.u32 $0x1, s2;
	s7 =	sand.u32 $0xFFFF, s1  }
0xb6: {  	p2 =	seq.s32 s2, $0x1;
	s2 =	sand.u32 @!p1 $0xFFFF, s8;
	p0 =	sne.s32 s7, $0x0  }
0xb7: {  	s8 =	simm.s32 $0x2800;
	p3 =	sne.s32 @!p1 s2, $0x4F;
	s7 =	simm.s32 @!p0 $0x1  }
0xb8: {  	s8 =	simm.s32 @!p2 $0x0;
	s1 =	sshll.u32 s1, $0x7;
	_ =	swait.ge @!p0 [sflag:s7], $0x2800  }
0xb9: {  	p2 =	por p3, p1;
	s1 =	sand.u32 $0x3F80, s1;
	[sflag:s7] =	ssyncset.done @!p0 $0x0  }
0xba: {  	s2 =	smul.u32 @!p2 $0xCCCD, s12;
	s1 =	sadd.s32 s1, s8;
	[sflag:s7] =	ssyncadd.s32 @!p0 $0xFFFFD800  }
0xbb: {  	[tilespmem:s19], [sflag:$0x4] =	stream.indirect.gather [spmem:s5], $0x80, s1, s15, $0xb8;
	[tilespmem:$0x19320] =	vst v63  }
0xbc: {  	s1 =	sshrl.u32 @!p2 s2, $0x16  }
0xbd: {  	s1 =	sadd.s32 @!p2 $0x1, s1  }
0xbe: {  	s2 =	smul.u32 @!p2 $0x50, s1  }
0xbf: {  	s14 =	sadd.s32 $0x1, s14;
	s3 =	sadd.s32 $0x2800, s3;
	s1 =	sand.u32 @!p2 $0x1, s1  }
.Ltmp3:
0xc0: {  	p0 =	seq.s32 @!p2 s1, $0x1;
	s1 =	sand.u32 @!p2 $0xFFF0, s2;
	(pc) =	sbr.rel .LBB2_2-.Ltmp3, $4  }
0xc1: {  	s18 =	smov.u32 s12;
	p0 =	por @!p1 !p0, p3;
	s1 =	sadd.s32 @!p2 s1, s4  }
0xc2: {  	s2 =	simm.s32 @!p2 $0x2800;
	p0 =	por !p0, p1;
	s1 =	sshll.u32 @!p2 s1, $0x4  }
0xc3: {  	s7 =	simm.s32 @!p2 $0x0;
	s2 =	simm.s32 @!p0 $0x0;
	s1 =	sadd.s32 @!p2 s0, s1  }
0xc4: {  	[tilespmem:s2], [sflag:$0x1] =	stream.linear.gather @!p2 [hbm4b:s1+s7], $0x2800, $0x38;
	[tilespmem:$0x19320] =	vst v63  }
.LBB2_5:
0xc5: {  	_ =	sfence.sel $0x180000  }
0xc6: {  	[bflag:$0x0] =	sbarrier.arrive $0xFFFF  }
0xc7: {  	_ =	strace $0x90000047  }
0xc8: {  	[bflag:$0x2] =	sbarrier.arrive $0xFFFF  }
0xc9: {  	s1 =	sld [smem:$0x7FD];
	_ =	sdelay $0x2  }
0xca: {  	s0 =	rddreg [dreg:$0x4];
	p0 =	seq.s32 s1, $0x1  }
0xcb: {  	s0 =	sadd.s32 @!p0 $0x100000, s0  }
0xcc: {  	[sflag:s0] =	ssyncadd.tile.s32 @!p0 $0x1;
	_ =	shalt  }
.Lfunc_end2:
_tile_overlayer_lowered:
.L_overlay_start_2:
0xcd: {  	(tag) =	ssettag $0x2  }
0xce: {  	s0 =	rddreg [dreg:$0x0];
	s2 =	stileid.u32  }
0xcf: {  	s1 =	rddreg [dreg:$0x1];
	p0 =	sne.s32 s2, $0x0  }
0xd0: {  	s3 =	rddreg [dreg:$0x2];
	[bflag:$0x3] =	sbarrier.arrive $0xFFFF;
	s2 =	simm.s32 @!p0 $0x1C0C  }
0xd1: {  	[timem:s3], [sflag:s2] =	dma.local @!p0 [hbm:s0], s1  }
0xd2: {  	s0 =	simm.s32 @!p0 $0xC  }
0xd3: {  	_ =	swait.ge @!p0 [sflag:s0], s1  }
0xd4: {  	s1 =	ssub.s32 @!p0 $0x0, s1;
	[sflag:s0] =	ssyncset.done @!p0 $0x0  }
0xd5: {  	[sflag:s0] =	ssyncadd.s32 @!p0 s1  }
0xd6: {  	[bflag:$0x3] =	sbarrier.arrive $0xFFFF  }
0xd7: {  	_ =	shalt  }

</sc_bundles>
